<compile_context>
chip_gen: v7x
topology: tpu7x:2x2x1
jax: 0.10.2.dev20260603
libtpu: 0.0.44.dev20260713+nightly
codegen_flags: <defaults>
</compile_context>

<pallas_src>
import functools
import math

import jax
import jax.numpy as jnp
from jax import lax
from jax.experimental import pallas as pl
from jax.experimental.pallas import tpu as pltpu
from jax.experimental.pallas import tpu_sc as plsc

N = 10000
E = 320000
D = 128

NC = 2
NS = 16
NW = NC * NS

CHUNK = 128
NCH_LO = E // NW // CHUNK
XTRA = E // CHUNK - NW * NCH_LO
NCH_HI = NCH_LO + 1
STRIPE = 624
TAIL = N - NS * STRIPE
NBUF = 2

_mesh = plsc.VectorSubcoreMesh(
    core_axis_name="c", subcore_axis_name="s", num_cores=NC, num_subcores=NS
)


@functools.partial(
    pl.kernel,
    out_type=jax.ShapeDtypeStruct((NC * N, D), jnp.float32),
    mesh=_mesh,
    scratch_types=(
        [pltpu.VMEM((CHUNK,), jnp.int32) for _ in range(2 * NBUF)]
        + [pltpu.VMEM((CHUNK, D), jnp.float32) for _ in range(NBUF)]
        + [pltpu.VMEM_SHARED((N, D), jnp.float32)]
        + [pltpu.SemaphoreType.DMA for _ in range(NBUF)]
    ),
)
def _sc_aggregate(x_hbm, src_hbm, dst_hbm, agg_out, *scratch):
    srcs = scratch[0:NBUF]
    dsts = scratch[NBUF:2 * NBUF]
    rows = scratch[2 * NBUF:3 * NBUF]
    agg_sh = scratch[3 * NBUF]
    sems = scratch[3 * NBUF + 1:]
    rowsA = rows[0]
    cid = lax.axis_index("c")
    sid = lax.axis_index("s")
    wid = cid * NS + sid

    zeros16 = jnp.zeros((16,), jnp.float32)

    @pl.loop(0, CHUNK)
    def _(i):
        @pl.loop(0, D // 16)
        def _(j):
            rowsA[i, pl.ds(j * 16, 16)] = zeros16

    row0 = sid * STRIPE
    nfull = STRIPE // CHUNK
    rem = STRIPE - nfull * CHUNK

    @pl.loop(0, nfull)
    def _(k):
        pltpu.sync_copy(rowsA, agg_sh.at[pl.ds(row0 + k * CHUNK, CHUNK)])

    pltpu.sync_copy(rowsA.at[pl.ds(0, rem)],
                    agg_sh.at[pl.ds(row0 + nfull * CHUNK, rem)])

    @pl.when(sid == NS - 1)
    def _():
        pltpu.sync_copy(rowsA.at[pl.ds(0, TAIL)],
                        agg_sh.at[pl.ds(NS * STRIPE, TAIL)])

    plsc.subcore_barrier()

    nch = lax.select(wid < XTRA, NCH_HI, NCH_LO)
    ebase = (wid * NCH_LO + lax.min(wid, XTRA)) * CHUNK

    def load_idx(c, b):
        base = ebase + c * CHUNK
        pltpu.sync_copy(src_hbm.at[pl.ds(base, CHUNK)], srcs[b])
        pltpu.sync_copy(src_hbm.at[pl.ds(E + base, CHUNK)], dsts[b])

    def fire(c, b):
        load_idx(c, b)
        pltpu.async_copy(x_hbm.at[srcs[b]], rows[b], sems[b])

    def drain(b):
        pltpu.make_async_copy(x_hbm.at[srcs[b]], rows[b], sems[b]).wait()
        pltpu.sync_copy(rows[b], agg_sh.at[dsts[b]], add=True)

    for b in range(NBUF - 1):
        fire(b, b)

    @pl.loop(0, (NCH_HI + NBUF - 1) // NBUF)
    def _(g):
        c0 = g * NBUF
        for b in range(NBUF):
            c = c0 + b

            @pl.when(c + NBUF - 1 < nch)
            def _():
                fire(c + NBUF - 1, (b + NBUF - 1) % NBUF)

            @pl.when(c < nch)
            def _():
                drain(b)

    plsc.subcore_barrier()

    obase = cid * N + sid * STRIPE
    pltpu.sync_copy(agg_sh.at[pl.ds(sid * STRIPE, STRIPE)],
                    agg_out.at[pl.ds(obase, STRIPE)])

    @pl.when(sid == NS - 1)
    def _():
        pltpu.sync_copy(agg_sh.at[pl.ds(NS * STRIPE, TAIL)],
                        agg_out.at[pl.ds(cid * N + NS * STRIPE, TAIL)])


@functools.partial(
    pl.kernel,
    out_type=jax.ShapeDtypeStruct((NC * N, D), jnp.float32),
    mesh=_mesh,
    scratch_types=[
        pltpu.VMEM((CHUNK,), jnp.int32),
        pltpu.VMEM((CHUNK,), jnp.int32),
        pltpu.VMEM((CHUNK, D), jnp.float32),
        pltpu.VMEM_SHARED((N, D), jnp.float32),
        pltpu.SemaphoreType.DMA,
        pltpu.SemaphoreType.DMA,
    ],
)
def _sc_count(dst_hbm, cnt_out, dstA, dstB, ones_v, cnt_sh, semA, semB):
    cid = lax.axis_index("c")
    sid = lax.axis_index("s")
    wid = cid * NS + sid

    zeros16 = jnp.zeros((16,), jnp.float32)
    ones16 = jnp.ones((16,), jnp.float32)

    @pl.loop(0, CHUNK)
    def _(i):
        @pl.loop(0, D // 16)
        def _(j):
            ones_v[i, pl.ds(j * 16, 16)] = zeros16

    row0 = sid * STRIPE
    nfull = STRIPE // CHUNK
    rem = STRIPE - nfull * CHUNK

    @pl.loop(0, nfull)
    def _(k):
        pltpu.sync_copy(ones_v, cnt_sh.at[pl.ds(row0 + k * CHUNK, CHUNK)])

    pltpu.sync_copy(ones_v.at[pl.ds(0, rem)],
                    cnt_sh.at[pl.ds(row0 + nfull * CHUNK, rem)])

    @pl.when(sid == NS - 1)
    def _():
        pltpu.sync_copy(ones_v.at[pl.ds(0, TAIL)],
                        cnt_sh.at[pl.ds(NS * STRIPE, TAIL)])

    @pl.loop(0, CHUNK)
    def _(i):
        ones_v[i, pl.ds(0, 16)] = ones16

    plsc.subcore_barrier()

    nch = lax.select(wid < XTRA, NCH_HI, NCH_LO)
    ebase = (wid * NCH_LO + lax.min(wid, XTRA)) * CHUNK

    pltpu.sync_copy(dst_hbm.at[pl.ds(ebase, CHUNK)], dstA)

    @pl.loop(0, (NCH_HI + 1) // 2)
    def _(i):
        a = 2 * i

        @pl.when(a + 1 < nch)
        def _():
            pltpu.async_copy(dst_hbm.at[pl.ds(ebase + (a + 1) * CHUNK, CHUNK)],
                             dstB, semB)

        @pl.when(a < nch)
        def _():
            pltpu.sync_copy(ones_v, cnt_sh.at[dstA], add=True)

        @pl.when(a + 1 < nch)
        def _():
            pltpu.make_async_copy(dst_hbm.at[pl.ds(ebase, CHUNK)], dstB,
                                  semB).wait()

        @pl.when(a + 2 < nch)
        def _():
            pltpu.async_copy(dst_hbm.at[pl.ds(ebase + (a + 2) * CHUNK, CHUNK)],
                             dstA, semA)

        @pl.when(a + 1 < nch)
        def _():
            pltpu.sync_copy(ones_v, cnt_sh.at[dstB], add=True)

        @pl.when(a + 2 < nch)
        def _():
            pltpu.make_async_copy(dst_hbm.at[pl.ds(ebase, CHUNK)], dstA,
                                  semA).wait()

    plsc.subcore_barrier()

    obase = cid * N + sid * STRIPE
    pltpu.sync_copy(cnt_sh.at[pl.ds(sid * STRIPE, STRIPE)],
                    cnt_out.at[pl.ds(obase, STRIPE)])

    @pl.when(sid == NS - 1)
    def _():
        pltpu.sync_copy(cnt_sh.at[pl.ds(NS * STRIPE, TAIL)],
                        cnt_out.at[pl.ds(cid * N + NS * STRIPE, TAIL)])

BN = 2000
_INV_SQRT2 = 1.0 / math.sqrt(2.0)


def _tc_body(x_ref, a0_ref, a1_ref, c0_ref, c1_ref, wl_ref, wr_ref,
             bl_ref, g_ref, b_ref, o_ref):
    x = x_ref[...]
    agg = a0_ref[...] + a1_ref[...]
    cnt = c0_ref[...][:, :1] + c1_ref[...][:, :1]
    mean = agg / jnp.maximum(cnt, 1.0)
    dn = (((1,), (1,)), ((), ()))
    f = (
        lax.dot_general(mean, wl_ref[...], dn,
                        preferred_element_type=jnp.float32)
        + lax.dot_general(x, wr_ref[...], dn,
                          preferred_element_type=jnp.float32)
        + bl_ref[...]
    )
    f = 0.5 * f * (1.0 + lax.erf(f * _INV_SQRT2))
    mu = jnp.mean(f, axis=1, keepdims=True)
    d = f - mu
    var = jnp.mean(d * d, axis=1, keepdims=True)
    o_ref[...] = d * lax.rsqrt(var + 1e-5) * g_ref[...] + b_ref[...] + x


def _tc_epilogue(x, agg_part, cnt_part, w_l, w_r, b_l, gamma, beta):
    nb = N // BN
    return pl.pallas_call(
        _tc_body,
        grid=(nb,),
        in_specs=[
            pl.BlockSpec((BN, D), lambda i: (i, 0)),
            pl.BlockSpec((BN, D), lambda i: (i, 0)),
            pl.BlockSpec((BN, D), lambda i: (i + nb, 0)),
            pl.BlockSpec((BN, D), lambda i: (i, 0)),
            pl.BlockSpec((BN, D), lambda i: (i + nb, 0)),
            pl.BlockSpec((D, D), lambda i: (0, 0)),
            pl.BlockSpec((D, D), lambda i: (0, 0)),
            pl.BlockSpec((1, D), lambda i: (0, 0)),
            pl.BlockSpec((1, D), lambda i: (0, 0)),
            pl.BlockSpec((1, D), lambda i: (0, 0)),
        ],
        out_specs=pl.BlockSpec((BN, D), lambda i: (i, 0)),
        out_shape=jax.ShapeDtypeStruct((N, D), jnp.float32),
    )(x, agg_part, agg_part, cnt_part, cnt_part, w_l, w_r, b_l, gamma, beta)


@jax.jit
def kernel(x, edge_index, W_l, b_l, W_r, gamma, beta):
    dst = edge_index[1]
    se = edge_index.reshape(2 * E)
    agg_part = _sc_aggregate(x, se, dst)
    cnt_part = _sc_count(dst)
    return _tc_epilogue(
        x, agg_part, cnt_part,
        W_l, W_r,
        b_l.reshape(1, D), gamma.reshape(1, D), beta.reshape(1, D),
    )

# --- scband reference (transcript-rebuilt; emitter-appended) ---
"""Pipeline reference for scband-sageblock-63771674411200 (READ-ONLY COPY).

The authoritative reference and input builder live on the scoring server;
editing this copy changes nothing except your own understanding.
"""

import jax, jax.numpy as jnp
import numpy as np

N = 10000
E = 320000
D = 128


def setup_inputs(seed: int = 0) -> dict:
    key = jax.random.key(seed)
    k1, k2, k3, k4, k5, k6 = jax.random.split(key, 6)
    x = jax.random.normal(k1, (N, D), dtype=jnp.float32)
    edge_index = jax.random.randint(k2, (2, E), 0, N, dtype=jnp.int32)
    # SAGEConv params (PyG-style): lin_l (neighbors, with bias), lin_r (root, no bias)
    s = 1.0 / np.sqrt(D)
    W_l = jax.random.uniform(k3, (D, D), dtype=jnp.float32, minval=-s, maxval=s)
    b_l = jnp.zeros((D,), dtype=jnp.float32)
    W_r = jax.random.uniform(k4, (D, D), dtype=jnp.float32, minval=-s, maxval=s)
    gamma = jnp.ones((D,), dtype=jnp.float32)
    beta = jnp.zeros((D,), dtype=jnp.float32)
    return {"x": x, "edge_index": edge_index, "W_l": W_l, "b_l": b_l, "W_r": W_r, "gamma": gamma, "beta": beta}


def reference(x, edge_index, W_l, b_l, W_r, gamma, beta):
    src = edge_index[0]
    dst = edge_index[1]
    # SAGEConv with mean aggregation: out = lin_l(mean_{j in N(i)} x_j) + lin_r(x_i)
    msgs = jnp.take(x, src, axis=0)
    agg = jax.ops.segment_sum(msgs, dst, num_segments=N)
    cnt = jax.ops.segment_sum(jnp.ones((E,), dtype=x.dtype), dst, num_segments=N)
    mean_agg = agg / jnp.maximum(cnt, 1.0)[:, None]
    f = mean_agg @ W_l.T + b_l + x @ W_r.T
    # exact (erf-based) GELU, matching torch.nn.functional.gelu default
    f = jax.nn.gelu(f, approximate=False)
    # LayerNorm over last dim, eps=1e-5
    mu = jnp.mean(f, axis=-1, keepdims=True)
    var = jnp.var(f, axis=-1, keepdims=True)
    f = (f - mu) / jnp.sqrt(var + 1e-5) * gamma + beta
    # residual
    return f + x

if __name__ == "__main__":
    import jax
    _d = setup_inputs()
    print(jax.jit(kernel)(*tuple(_d.values())))

</pallas_src>

<mosaic_0001>
#map = affine_map<(d0, d1) -> (0, 0)>
#map1 = affine_map<(d0, d1) -> (0)>
module attributes {stable_mosaic.version = 14 : i64} {
  func.func @_sc_aggregate(%arg0: i32, %arg1: i32, %arg2: memref<10000x128xf32, #tpu.memory_space<hbm>>, %arg3: memref<640000xi32, #tpu.memory_space<hbm>>, %arg4: memref<320000xi32, #tpu.memory_space<hbm>>, %arg5: memref<20000x128xf32, #tpu.memory_space<hbm>>, %arg6: memref<128xi32, #tpu.memory_space<vmem>>, %arg7: memref<128xi32, #tpu.memory_space<vmem>>, %arg8: memref<128xi32, #tpu.memory_space<vmem>>, %arg9: memref<128xi32, #tpu.memory_space<vmem>>, %arg10: memref<128x128xf32, #tpu.memory_space<vmem>>, %arg11: memref<128x128xf32, #tpu.memory_space<vmem>>, %arg12: memref<10000x128xf32, #tpu.memory_space<vmem_shared>>, %arg13: memref<!tpu.dma_semaphore, #tpu.memory_space<semaphore_mem>>, %arg14: memref<!tpu.dma_semaphore, #tpu.memory_space<semaphore_mem>>) attributes {dimension_semantics = [#tpu.dimension_semantics<core_parallel>, #tpu.dimension_semantics<subcore_parallel>], iteration_bounds = array<i64: 2, 16>, scalar_prefetch = 0 : i64, scratch_operands = 9 : i64, tpu.core_type = #tpu.core_type<sc_vector_subcore>, window_params = [{transform_indices = #map}, {transform_indices = #map1}, {transform_indices = #map1}, {transform_indices = #map}]} {
    %mul3A = arith.constant 16 : i32
    %mul3A_0 = arith.muli %arg0, %mul3A : i32
    %add3A = arith.addi %mul3A_0, %arg1 : i32
    %broadcast_in_dim3A = arith.constant 0.000000e+00 : f32
    %broadcast_in_dim3A_1 = vector.broadcast %broadcast_in_dim3A : f32 to vector<16xf32>
    %scan3A = arith.constant 0 : i32
    %scan3A_2 = arith.constant 128 : i32
    %scan3A_3 = arith.addi %scan3A, %scan3A_2 : i32
    %scan3A_4 = arith.constant 1 : i32
    scf.for %scan3A_50 = %scan3A to %scan3A_3 step %scan3A_4  : i32 {
      %mul3A_51 = arith.constant 1 : i32
      %mul3A_52 = arith.muli %scan3A_50, %mul3A_51 : i32
      %add3A_53 = arith.constant 0 : i32
      %add3A_54 = arith.addi %add3A_53, %mul3A_52 : i32
      %scan3A_55 = arith.constant 0 : i32
      %scan3A_56 = arith.constant 8 : i32
      %scan3A_57 = arith.addi %scan3A_55, %scan3A_56 : i32
      %scan3A_58 = arith.constant 1 : i32
      scf.for %scan3A_60 = %scan3A_55 to %scan3A_57 step %scan3A_58  : i32 {
        %mul3A_61 = arith.constant 1 : i32
        %mul3A_62 = arith.muli %scan3A_60, %mul3A_61 : i32
        %add3A_63 = arith.constant 0 : i32
        %add3A_64 = arith.addi %add3A_63, %mul3A_62 : i32
        %mul3A_65 = arith.constant 16 : i32
        %mul3A_66 = arith.muli %add3A_64, %mul3A_65 : i32
        %swap3A = arith.index_cast %add3A_54 : i32 to index
        %swap3A_67 = arith.index_cast %mul3A_66 : i32 to index
        %swap3A_68 = tpu.vector_load %arg10[%swap3A, %swap3A_67] {strides = array<i32>} : memref<128x128xf32, #tpu.memory_space<vmem>>, vector<1x16xf32>,
        %swap3A_69 = vector.shape_cast %swap3A_68 : vector<1x16xf32> to vector<16xf32>
        %swap3A_70 = vector.shape_cast %broadcast_in_dim3A_1 : vector<16xf32> to vector<1x16xf32>
        tpu.vector_store %arg10[%swap3A, %swap3A_67], %swap3A_70 {strides = array<i32>} : memref<128x128xf32, #tpu.memory_space<vmem>>, vector<1x16xf32>,
      }
      %scan3A_59 = arith.constant 8 : i32
    }
    %scan3A_5 = arith.constant 128 : i32
    %mul3A_6 = arith.constant 624 : i32
    %mul3A_7 = arith.muli %arg1, %mul3A_6 : i32
    %scan3A_8 = arith.constant 0 : i32
    %scan3A_9 = arith.constant 4 : i32
    %scan3A_10 = arith.addi %scan3A_8, %scan3A_9 : i32
    %scan3A_11 = arith.constant 1 : i32
    scf.for %scan3A_50 = %scan3A_8 to %scan3A_10 step %scan3A_11  : i32 {
      %mul3A_51 = arith.constant 1 : i32
      %mul3A_52 = arith.muli %scan3A_50, %mul3A_51 : i32
      %add3A_53 = arith.constant 0 : i32
      %add3A_54 = arith.addi %add3A_53, %mul3A_52 : i32
      %mul3A_55 = arith.constant 128 : i32
      %mul3A_56 = arith.muli %add3A_54, %mul3A_55 : i32
      %add3A_57 = arith.addi %mul3A_7, %mul3A_56 : i32
      "tpu.region"() ({
        %run_scoped3A = tpu.sem_alloc : memref<!tpu.dma_semaphore, #tpu.memory_space<semaphore_mem>>
        %dma_start3A_58 = arith.constant 0 : i32
        %dma_start3A_59 = tpu.memref_slice %arg12[%add3A_57, %dma_start3A_58] : memref<10000x128xf32, #tpu.memory_space<vmem_shared>> -> memref<128x128xf32, #tpu.memory_space<vmem_shared>>
        %dma_start3A_60 = arith.constant 0 : i32
        %dma_start3A_61 = tpu.memref_slice %arg12[%add3A_57, %dma_start3A_60] : memref<10000x128xf32, #tpu.memory_space<vmem_shared>> -> memref<128x128xf32, #tpu.memory_space<vmem_shared>>
        tpu.enqueue_dma source(%arg10 : memref<128x128xf32, #tpu.memory_space<vmem>>) target(%dma_start3A_61 : memref<128x128xf32, #tpu.memory_space<vmem_shared>>) target_semaphore(%run_scoped3A : memref<!tpu.dma_semaphore, #tpu.memory_space<semaphore_mem>>)
        %dma_wait3A = arith.constant 0 : i32
        %dma_wait3A_62 = tpu.memref_slice %arg12[%add3A_57, %dma_wait3A] : memref<10000x128xf32, #tpu.memory_space<vmem_shared>> -> memref<128x128xf32, #tpu.memory_space<vmem_shared>>
        %dma_wait3A_63 = arith.constant 0 : i32
        %dma_wait3A_64 = tpu.memref_slice %arg12[%add3A_57, %dma_wait3A_63] : memref<10000x128xf32, #tpu.memory_space<vmem_shared>> -> memref<128x128xf32, #tpu.memory_space<vmem_shared>>
        tpu.wait_dma2 semaphore(%run_scoped3A : memref<!tpu.dma_semaphore, #tpu.memory_space<semaphore_mem>>) src(%arg10 : memref<128x128xf32, #tpu.memory_space<vmem>>) dst(%dma_wait3A_64 : memref<128x128xf32, #tpu.memory_space<vmem_shared>>)
        tpu.yield
      }) : () -> ()
    }
    %scan3A_12 = arith.constant 4 : i32
    %add3A_13 = arith.constant 512 : i32
    %add3A_14 = arith.addi %mul3A_7, %add3A_13 : i32
    "tpu.region"() ({
      %run_scoped3A = tpu.sem_alloc : memref<!tpu.dma_semaphore, #tpu.memory_space<semaphore_mem>>
      %dma_start3A_50 = arith.constant 0 : i32
      %dma_start3A_51 = arith.constant 0 : i32
      %dma_start3A_52 = tpu.memref_slice %arg10[%dma_start3A_50, %dma_start3A_51] : memref<128x128xf32, #tpu.memory_space<vmem>> -> memref<112x128xf32, #tpu.memory_space<vmem>>
      %dma_start3A_53 = arith.constant 0 : i32
      %dma_start3A_54 = tpu.memref_slice %arg12[%add3A_14, %dma_start3A_53] : memref<10000x128xf32, #tpu.memory_space<vmem_shared>> -> memref<112x128xf32, #tpu.memory_space<vmem_shared>>
      %dma_start3A_55 = arith.constant 0 : i32
      %dma_start3A_56 = tpu.memref_slice %arg12[%add3A_14, %dma_start3A_55] : memref<10000x128xf32, #tpu.memory_space<vmem_shared>> -> memref<112x128xf32, #tpu.memory_space<vmem_shared>>
      %dma_start3A_57 = arith.constant 0 : i32
      %dma_start3A_58 = arith.constant 0 : i32
      %dma_start3A_59 = tpu.memref_slice %arg10[%dma_start3A_57, %dma_start3A_58] : memref<128x128xf32, #tpu.memory_space<vmem>> -> memref<112x128xf32, #tpu.memory_space<vmem>>
      tpu.enqueue_dma source(%dma_start3A_59 : memref<112x128xf32, #tpu.memory_space<vmem>>) target(%dma_start3A_56 : memref<112x128xf32, #tpu.memory_space<vmem_shared>>) target_semaphore(%run_scoped3A : memref<!tpu.dma_semaphore, #tpu.memory_space<semaphore_mem>>)
      %dma_wait3A = arith.constant 0 : i32
      %dma_wait3A_60 = arith.constant 0 : i32
      %dma_wait3A_61 = tpu.memref_slice %arg10[%dma_wait3A, %dma_wait3A_60] : memref<128x128xf32, #tpu.memory_space<vmem>> -> memref<112x128xf32, #tpu.memory_space<vmem>>
      %dma_wait3A_62 = arith.constant 0 : i32
      %dma_wait3A_63 = tpu.memref_slice %arg12[%add3A_14, %dma_wait3A_62] : memref<10000x128xf32, #tpu.memory_space<vmem_shared>> -> memref<112x128xf32, #tpu.memory_space<vmem_shared>>
      %dma_wait3A_64 = arith.constant 0 : i32
      %dma_wait3A_65 = tpu.memref_slice %arg12[%add3A_14, %dma_wait3A_64] : memref<10000x128xf32, #tpu.memory_space<vmem_shared>> -> memref<112x128xf32, #tpu.memory_space<vmem_shared>>
      %dma_wait3A_66 = arith.constant 0 : i32
      %dma_wait3A_67 = arith.constant 0 : i32
      %dma_wait3A_68 = tpu.memref_slice %arg10[%dma_wait3A_66, %dma_wait3A_67] : memref<128x128xf32, #tpu.memory_space<vmem>> -> memref<112x128xf32, #tpu.memory_space<vmem>>
      tpu.wait_dma2 semaphore(%run_scoped3A : memref<!tpu.dma_semaphore, #tpu.memory_space<semaphore_mem>>) src(%dma_wait3A_68 : memref<112x128xf32, #tpu.memory_space<vmem>>) dst(%dma_wait3A_65 : memref<112x128xf32, #tpu.memory_space<vmem_shared>>)
      tpu.yield
    }) : () -> ()
    %eq3A = arith.constant 15 : i32
    %eq3A_15 = arith.cmpi eq, %arg1, %eq3A : i32
    %convert_element_type3A = arith.extui %eq3A_15 : i1 to i32
    %cond3A = arith.constant 0 : i32
    %cond3A_16 = arith.cmpi ne, %convert_element_type3A, %cond3A : i32
    scf.if %cond3A_16 {
      "tpu.region"() ({
        %run_scoped3A = tpu.sem_alloc : memref<!tpu.dma_semaphore, #tpu.memory_space<semaphore_mem>>
        %dma_start3A_50 = arith.constant 0 : i32
        %dma_start3A_51 = arith.constant 0 : i32
        %dma_start3A_52 = tpu.memref_slice %arg10[%dma_start3A_50, %dma_start3A_51] : memref<128x128xf32, #tpu.memory_space<vmem>> -> memref<16x128xf32, #tpu.memory_space<vmem>>
        %dma_start3A_53 = arith.constant 9984 : i32
        %dma_start3A_54 = arith.constant 0 : i32
        %dma_start3A_55 = tpu.memref_slice %arg12[%dma_start3A_53, %dma_start3A_54] : memref<10000x128xf32, #tpu.memory_space<vmem_shared>> -> memref<16x128xf32, #tpu.memory_space<vmem_shared>>
        %dma_start3A_56 = arith.constant 9984 : i32
        %dma_start3A_57 = arith.constant 0 : i32
        %dma_start3A_58 = tpu.memref_slice %arg12[%dma_start3A_56, %dma_start3A_57] : memref<10000x128xf32, #tpu.memory_space<vmem_shared>> -> memref<16x128xf32, #tpu.memory_space<vmem_shared>>
        %dma_start3A_59 = arith.constant 0 : i32
        %dma_start3A_60 = arith.constant 0 : i32
        %dma_start3A_61 = tpu.memref_slice %arg10[%dma_start3A_59, %dma_start3A_60] : memref<128x128xf32, #tpu.memory_space<vmem>> -> memref<16x128xf32, #tpu.memory_space<vmem>>
        tpu.enqueue_dma source(%dma_start3A_61 : memref<16x128xf32, #tpu.memory_space<vmem>>) target(%dma_start3A_58 : memref<16x128xf32, #tpu.memory_space<vmem_shared>>) target_semaphore(%run_scoped3A : memref<!tpu.dma_semaphore, #tpu.memory_space<semaphore_mem>>)
        %dma_wait3A = arith.constant 0 : i32
        %dma_wait3A_62 = arith.constant 0 : i32
        %dma_wait3A_63 = tpu.memref_slice %arg10[%dma_wait3A, %dma_wait3A_62] : memref<128x128xf32, #tpu.memory_space<vmem>> -> memref<16x128xf32, #tpu.memory_space<vmem>>
        %dma_wait3A_64 = arith.constant 9984 : i32
        %dma_wait3A_65 = arith.constant 0 : i32
        %dma_wait3A_66 = tpu.memref_slice %arg12[%dma_wait3A_64, %dma_wait3A_65] : memref<10000x128xf32, #tpu.memory_space<vmem_shared>> -> memref<16x128xf32, #tpu.memory_space<vmem_shared>>
        %dma_wait3A_67 = arith.constant 9984 : i32
        %dma_wait3A_68 = arith.constant 0 : i32
        %dma_wait3A_69 = tpu.memref_slice %arg12[%dma_wait3A_67, %dma_wait3A_68] : memref<10000x128xf32, #tpu.memory_space<vmem_shared>> -> memref<16x128xf32, #tpu.memory_space<vmem_shared>>
        %dma_wait3A_70 = arith.constant 0 : i32
        %dma_wait3A_71 = arith.constant 0 : i32
        %dma_wait3A_72 = tpu.memref_slice %arg10[%dma_wait3A_70, %dma_wait3A_71] : memref<128x128xf32, #tpu.memory_space<vmem>> -> memref<16x128xf32, #tpu.memory_space<vmem>>
        tpu.wait_dma2 semaphore(%run_scoped3A : memref<!tpu.dma_semaphore, #tpu.memory_space<semaphore_mem>>) src(%dma_wait3A_72 : memref<16x128xf32, #tpu.memory_space<vmem>>) dst(%dma_wait3A_69 : memref<16x128xf32, #tpu.memory_space<vmem_shared>>)
        tpu.yield
      }) : () -> ()
    } else {
    }
    %barrier3A = arith.constant 0 : index
    tpu.barrier barrier_id(%barrier3A)
    %lt3A = arith.constant 4 : i32
    %lt3A_17 = arith.cmpi slt, %add3A, %lt3A : i32
    %select_n3A = arith.constant 78 : i32
    %select_n3A_18 = arith.constant 79 : i32
    %select_n3A_19 = arith.select %lt3A_17, %select_n3A_18, %select_n3A : i32
    %mul3A_20 = arith.constant 78 : i32
    %mul3A_21 = arith.muli %add3A, %mul3A_20 : i32
    %min3A = arith.constant 4 : i32
    %min3A_22 = arith.minsi %add3A, %min3A : i32
    %add3A_23 = arith.addi %mul3A_21, %min3A_22 : i32
    %mul3A_24 = arith.constant 128 : i32
    %mul3A_25 = arith.muli %add3A_23, %mul3A_24 : i32
    %add3A_26 = arith.constant 0 : i32
    %add3A_27 = arith.addi %mul3A_25, %add3A_26 : i32
    "tpu.region"() ({
      %run_scoped3A = tpu.sem_alloc : memref<!tpu.dma_semaphore, #tpu.memory_space<semaphore_mem>>
      %dma_start3A_50 = tpu.memref_slice %arg3[%add3A_27] : memref<640000xi32, #tpu.memory_space<hbm>> -> memref<128xi32, #tpu.memory_space<hbm>>
      %dma_start3A_51 = tpu.memref_slice %arg3[%add3A_27] : memref<640000xi32, #tpu.memory_space<hbm>> -> memref<128xi32, #tpu.memory_space<hbm>>
      tpu.enqueue_dma source(%dma_start3A_51 : memref<128xi32, #tpu.memory_space<hbm>>) target(%arg6 : memref<128xi32, #tpu.memory_space<vmem>>) target_semaphore(%run_scoped3A : memref<!tpu.dma_semaphore, #tpu.memory_space<semaphore_mem>>)
      %dma_wait3A = tpu.memref_slice %arg3[%add3A_27] : memref<640000xi32, #tpu.memory_space<hbm>> -> memref<128xi32, #tpu.memory_space<hbm>>
      %dma_wait3A_52 = tpu.memref_slice %arg3[%add3A_27] : memref<640000xi32, #tpu.memory_space<hbm>> -> memref<128xi32, #tpu.memory_space<hbm>>
      tpu.wait_dma2 semaphore(%run_scoped3A : memref<!tpu.dma_semaphore, #tpu.memory_space<semaphore_mem>>) src(%dma_wait3A_52 : memref<128xi32, #tpu.memory_space<hbm>>) dst(%arg6 : memref<128xi32, #tpu.memory_space<vmem>>)
      tpu.yield
    }) : () -> ()
    %add3A_28 = arith.constant 320000 : i32
    %add3A_29 = arith.addi %add3A_28, %add3A_27 : i32
    "tpu.region"() ({
      %run_scoped3A = tpu.sem_alloc : memref<!tpu.dma_semaphore, #tpu.memory_space<semaphore_mem>>
      %dma_start3A_50 = tpu.memref_slice %arg3[%add3A_29] : memref<640000xi32, #tpu.memory_space<hbm>> -> memref<128xi32, #tpu.memory_space<hbm>>
      %dma_start3A_51 = tpu.memref_slice %arg3[%add3A_29] : memref<640000xi32, #tpu.memory_space<hbm>> -> memref<128xi32, #tpu.memory_space<hbm>>
      tpu.enqueue_dma source(%dma_start3A_51 : memref<128xi32, #tpu.memory_space<hbm>>) target(%arg8 : memref<128xi32, #tpu.memory_space<vmem>>) target_semaphore(%run_scoped3A : memref<!tpu.dma_semaphore, #tpu.memory_space<semaphore_mem>>)
      %dma_wait3A = tpu.memref_slice %arg3[%add3A_29] : memref<640000xi32, #tpu.memory_space<hbm>> -> memref<128xi32, #tpu.memory_space<hbm>>
      %dma_wait3A_52 = tpu.memref_slice %arg3[%add3A_29] : memref<640000xi32, #tpu.memory_space<hbm>> -> memref<128xi32, #tpu.memory_space<hbm>>
      tpu.wait_dma2 semaphore(%run_scoped3A : memref<!tpu.dma_semaphore, #tpu.memory_space<semaphore_mem>>) src(%dma_wait3A_52 : memref<128xi32, #tpu.memory_space<hbm>>) dst(%arg8 : memref<128xi32, #tpu.memory_space<vmem>>)
      tpu.yield
    }) : () -> ()
    %dma_start3A = arith.constant 0 : i32
    %dma_start3A_30 = arith.constant 0 : i32
    %dma_start3A_31 = tpu.memref_slice %arg2[%dma_start3A, %dma_start3A_30] : memref<10000x128xf32, #tpu.memory_space<hbm>> -> memref<10000x128xf32, #tpu.memory_space<hbm>>
    tpu.enqueue_indirect_dma source(%dma_start3A_31 : memref<10000x128xf32, #tpu.memory_space<hbm>>) target(%arg10 : memref<128x128xf32, #tpu.memory_space<vmem>>) offsets(%arg6 : memref<128xi32, #tpu.memory_space<vmem>>) semaphore(%arg13 : memref<!tpu.dma_semaphore, #tpu.memory_space<semaphore_mem>>)
    %scan3A_32 = arith.constant 0 : i32
    %scan3A_33 = arith.constant 40 : i32
    %scan3A_34 = arith.addi %scan3A_32, %scan3A_33 : i32
    %scan3A_35 = arith.constant 1 : i32
    scf.for %scan3A_50 = %scan3A_32 to %scan3A_34 step %scan3A_35  : i32 {
      %mul3A_51 = arith.constant 1 : i32
      %mul3A_52 = arith.muli %scan3A_50, %mul3A_51 : i32
      %add3A_53 = arith.constant 0 : i32
      %add3A_54 = arith.addi %add3A_53, %mul3A_52 : i32
      %mul3A_55 = arith.constant 2 : i32
      %mul3A_56 = arith.muli %add3A_54, %mul3A_55 : i32
      %add3A_57 = arith.constant 0 : i32
      %add3A_58 = arith.addi %mul3A_56, %add3A_57 : i32
      %add3A_59 = arith.constant 2 : i32
      %add3A_60 = arith.addi %add3A_58, %add3A_59 : i32
      %sub3A = arith.constant 1 : i32
      %sub3A_61 = arith.subi %add3A_60, %sub3A : i32
      %lt3A_62 = arith.cmpi slt, %sub3A_61, %select_n3A_19 : i32
      %convert_element_type3A_63 = arith.extui %lt3A_62 : i1 to i32
      %cond3A_64 = arith.constant 0 : i32
      %cond3A_65 = arith.cmpi ne, %convert_element_type3A_63, %cond3A_64 : i32
      scf.if %cond3A_65 {
        %add3A_84 = arith.constant 2 : i32
        %add3A_85 = arith.addi %add3A_58, %add3A_84 : i32
        %sub3A_86 = arith.constant 1 : i32
        %sub3A_87 = arith.subi %add3A_85, %sub3A_86 : i32
        %mul3A_88 = arith.constant 128 : i32
        %mul3A_89 = arith.muli %sub3A_87, %mul3A_88 : i32
        %add3A_90 = arith.addi %mul3A_25, %mul3A_89 : i32
        "tpu.region"() ({
          %run_scoped3A = tpu.sem_alloc : memref<!tpu.dma_semaphore, #tpu.memory_space<semaphore_mem>>
          %dma_start3A_96 = tpu.memref_slice %arg3[%add3A_90] : memref<640000xi32, #tpu.memory_space<hbm>> -> memref<128xi32, #tpu.memory_space<hbm>>
          %dma_start3A_97 = tpu.memref_slice %arg3[%add3A_90] : memref<640000xi32, #tpu.memory_space<hbm>> -> memref<128xi32, #tpu.memory_space<hbm>>
          tpu.enqueue_dma source(%dma_start3A_97 : memref<128xi32, #tpu.memory_space<hbm>>) target(%arg7 : memref<128xi32, #tpu.memory_space<vmem>>) target_semaphore(%run_scoped3A : memref<!tpu.dma_semaphore, #tpu.memory_space<semaphore_mem>>)
          %dma_wait3A = tpu.memref_slice %arg3[%add3A_90] : memref<640000xi32, #tpu.memory_space<hbm>> -> memref<128xi32, #tpu.memory_space<hbm>>
          %dma_wait3A_98 = tpu.memref_slice %arg3[%add3A_90] : memref<640000xi32, #tpu.memory_space<hbm>> -> memref<128xi32, #tpu.memory_space<hbm>>
          tpu.wait_dma2 semaphore(%run_scoped3A : memref<!tpu.dma_semaphore, #tpu.memory_space<semaphore_mem>>) src(%dma_wait3A_98 : memref<128xi32, #tpu.memory_space<hbm>>) dst(%arg7 : memref<128xi32, #tpu.memory_space<vmem>>)
          tpu.yield
        }) : () -> ()
        %add3A_91 = arith.constant 320000 : i32
        %add3A_92 = arith.addi %add3A_91, %add3A_90 : i32
        "tpu.region"() ({
          %run_scoped3A = tpu.sem_alloc : memref<!tpu.dma_semaphore, #tpu.memory_space<semaphore_mem>>
          %dma_start3A_96 = tpu.memref_slice %arg3[%add3A_92] : memref<640000xi32, #tpu.memory_space<hbm>> -> memref<128xi32, #tpu.memory_space<hbm>>
          %dma_start3A_97 = tpu.memref_slice %arg3[%add3A_92] : memref<640000xi32, #tpu.memory_space<hbm>> -> memref<128xi32, #tpu.memory_space<hbm>>
          tpu.enqueue_dma source(%dma_start3A_97 : memref<128xi32, #tpu.memory_space<hbm>>) target(%arg9 : memref<128xi32, #tpu.memory_space<vmem>>) target_semaphore(%run_scoped3A : memref<!tpu.dma_semaphore, #tpu.memory_space<semaphore_mem>>)
          %dma_wait3A = tpu.memref_slice %arg3[%add3A_92] : memref<640000xi32, #tpu.memory_space<hbm>> -> memref<128xi32, #tpu.memory_space<hbm>>
          %dma_wait3A_98 = tpu.memref_slice %arg3[%add3A_92] : memref<640000xi32, #tpu.memory_space<hbm>> -> memref<128xi32, #tpu.memory_space<hbm>>
          tpu.wait_dma2 semaphore(%run_scoped3A : memref<!tpu.dma_semaphore, #tpu.memory_space<semaphore_mem>>) src(%dma_wait3A_98 : memref<128xi32, #tpu.memory_space<hbm>>) dst(%arg9 : memref<128xi32, #tpu.memory_space<vmem>>)
          tpu.yield
        }) : () -> ()
        %dma_start3A_93 = arith.constant 0 : i32
        %dma_start3A_94 = arith.constant 0 : i32
        %dma_start3A_95 = tpu.memref_slice %arg2[%dma_start3A_93, %dma_start3A_94] : memref<10000x128xf32, #tpu.memory_space<hbm>> -> memref<10000x128xf32, #tpu.memory_space<hbm>>
        tpu.enqueue_indirect_dma source(%dma_start3A_95 : memref<10000x128xf32, #tpu.memory_space<hbm>>) target(%arg11 : memref<128x128xf32, #tpu.memory_space<vmem>>) offsets(%arg7 : memref<128xi32, #tpu.memory_space<vmem>>) semaphore(%arg14 : memref<!tpu.dma_semaphore, #tpu.memory_space<semaphore_mem>>)
      } else {
      }
      %lt3A_66 = arith.cmpi slt, %add3A_58, %select_n3A_19 : i32
      %convert_element_type3A_67 = arith.extui %lt3A_66 : i1 to i32
      %cond3A_68 = arith.constant 0 : i32
      %cond3A_69 = arith.cmpi ne, %convert_element_type3A_67, %cond3A_68 : i32
      scf.if %cond3A_69 {
        %dma_wait3A = arith.constant 0 : i32
        %dma_wait3A_84 = arith.constant 0 : i32
        %dma_wait3A_85 = tpu.memref_slice %arg2[%dma_wait3A, %dma_wait3A_84] : memref<10000x128xf32, #tpu.memory_space<hbm>> -> memref<10000x128xf32, #tpu.memory_space<hbm>>
        tpu.wait_indirect_dma semaphore(%arg13 : memref<!tpu.dma_semaphore, #tpu.memory_space<semaphore_mem>>) src(%dma_wait3A_85 : memref<10000x128xf32, #tpu.memory_space<hbm>>) dst(%arg10 : memref<128x128xf32, #tpu.memory_space<vmem>>)
        "tpu.region"() ({
          %run_scoped3A = tpu.sem_alloc : memref<!tpu.dma_semaphore, #tpu.memory_space<semaphore_mem>>
          %dma_start3A_86 = arith.constant 0 : i32
          %dma_start3A_87 = arith.constant 0 : i32
          %dma_start3A_88 = tpu.memref_slice %arg12[%dma_start3A_86, %dma_start3A_87] : memref<10000x128xf32, #tpu.memory_space<vmem_shared>> -> memref<10000x128xf32, #tpu.memory_space<vmem_shared>>
          tpu.enqueue_indirect_dma source(%arg10 : memref<128x128xf32, #tpu.memory_space<vmem>>) target(%dma_start3A_88 : memref<10000x128xf32, #tpu.memory_space<vmem_shared>>) offsets(%arg8 : memref<128xi32, #tpu.memory_space<vmem>>) semaphore(%run_scoped3A : memref<!tpu.dma_semaphore, #tpu.memory_space<semaphore_mem>>) {add = true}
          %dma_wait3A_89 = arith.constant 0 : i32
          %dma_wait3A_90 = arith.constant 0 : i32
          %dma_wait3A_91 = tpu.memref_slice %arg12[%dma_wait3A_89, %dma_wait3A_90] : memref<10000x128xf32, #tpu.memory_space<vmem_shared>> -> memref<10000x128xf32, #tpu.memory_space<vmem_shared>>
          tpu.wait_indirect_dma semaphore(%run_scoped3A : memref<!tpu.dma_semaphore, #tpu.memory_space<semaphore_mem>>) src(%arg10 : memref<128x128xf32, #tpu.memory_space<vmem>>) dst(%dma_wait3A_91 : memref<10000x128xf32, #tpu.memory_space<vmem_shared>>)
          tpu.yield
        }) : () -> ()
      } else {
      }
      %add3A_70 = arith.constant 1 : i32
      %add3A_71 = arith.addi %mul3A_56, %add3A_70 : i32
      %add3A_72 = arith.constant 2 : i32
      %add3A_73 = arith.addi %add3A_71, %add3A_72 : i32
      %sub3A_74 = arith.constant 1 : i32
      %sub3A_75 = arith.subi %add3A_73, %sub3A_74 : i32
      %lt3A_76 = arith.cmpi slt, %sub3A_75, %select_n3A_19 : i32
      %convert_element_type3A_77 = arith.extui %lt3A_76 : i1 to i32
      %cond3A_78 = arith.constant 0 : i32
      %cond3A_79 = arith.cmpi ne, %convert_element_type3A_77, %cond3A_78 : i32
      scf.if %cond3A_79 {
        %add3A_84 = arith.constant 2 : i32
        %add3A_85 = arith.addi %add3A_71, %add3A_84 : i32
        %sub3A_86 = arith.constant 1 : i32
        %sub3A_87 = arith.subi %add3A_85, %sub3A_86 : i32
        %mul3A_88 = arith.constant 128 : i32
        %mul3A_89 = arith.muli %sub3A_87, %mul3A_88 : i32
        %add3A_90 = arith.addi %mul3A_25, %mul3A_89 : i32
        "tpu.region"() ({
          %run_scoped3A = tpu.sem_alloc : memref<!tpu.dma_semaphore, #tpu.memory_space<semaphore_mem>>
          %dma_start3A_96 = tpu.memref_slice %arg3[%add3A_90] : memref<640000xi32, #tpu.memory_space<hbm>> -> memref<128xi32, #tpu.memory_space<hbm>>
          %dma_start3A_97 = tpu.memref_slice %arg3[%add3A_90] : memref<640000xi32, #tpu.memory_space<hbm>> -> memref<128xi32, #tpu.memory_space<hbm>>
          tpu.enqueue_dma source(%dma_start3A_97 : memref<128xi32, #tpu.memory_space<hbm>>) target(%arg6 : memref<128xi32, #tpu.memory_space<vmem>>) target_semaphore(%run_scoped3A : memref<!tpu.dma_semaphore, #tpu.memory_space<semaphore_mem>>)
          %dma_wait3A = tpu.memref_slice %arg3[%add3A_90] : memref<640000xi32, #tpu.memory_space<hbm>> -> memref<128xi32, #tpu.memory_space<hbm>>
          %dma_wait3A_98 = tpu.memref_slice %arg3[%add3A_90] : memref<640000xi32, #tpu.memory_space<hbm>> -> memref<128xi32, #tpu.memory_space<hbm>>
          tpu.wait_dma2 semaphore(%run_scoped3A : memref<!tpu.dma_semaphore, #tpu.memory_space<semaphore_mem>>) src(%dma_wait3A_98 : memref<128xi32, #tpu.memory_space<hbm>>) dst(%arg6 : memref<128xi32, #tpu.memory_space<vmem>>)
          tpu.yield
        }) : () -> ()
        %add3A_91 = arith.constant 320000 : i32
        %add3A_92 = arith.addi %add3A_91, %add3A_90 : i32
        "tpu.region"() ({
          %run_scoped3A = tpu.sem_alloc : memref<!tpu.dma_semaphore, #tpu.memory_space<semaphore_mem>>
          %dma_start3A_96 = tpu.memref_slice %arg3[%add3A_92] : memref<640000xi32, #tpu.memory_space<hbm>> -> memref<128xi32, #tpu.memory_space<hbm>>
          %dma_start3A_97 = tpu.memref_slice %arg3[%add3A_92] : memref<640000xi32, #tpu.memory_space<hbm>> -> memref<128xi32, #tpu.memory_space<hbm>>
          tpu.enqueue_dma source(%dma_start3A_97 : memref<128xi32, #tpu.memory_space<hbm>>) target(%arg8 : memref<128xi32, #tpu.memory_space<vmem>>) target_semaphore(%run_scoped3A : memref<!tpu.dma_semaphore, #tpu.memory_space<semaphore_mem>>)
          %dma_wait3A = tpu.memref_slice %arg3[%add3A_92] : memref<640000xi32, #tpu.memory_space<hbm>> -> memref<128xi32, #tpu.memory_space<hbm>>
          %dma_wait3A_98 = tpu.memref_slice %arg3[%add3A_92] : memref<640000xi32, #tpu.memory_space<hbm>> -> memref<128xi32, #tpu.memory_space<hbm>>
          tpu.wait_dma2 semaphore(%run_scoped3A : memref<!tpu.dma_semaphore, #tpu.memory_space<semaphore_mem>>) src(%dma_wait3A_98 : memref<128xi32, #tpu.memory_space<hbm>>) dst(%arg8 : memref<128xi32, #tpu.memory_space<vmem>>)
          tpu.yield
        }) : () -> ()
        %dma_start3A_93 = arith.constant 0 : i32
        %dma_start3A_94 = arith.constant 0 : i32
        %dma_start3A_95 = tpu.memref_slice %arg2[%dma_start3A_93, %dma_start3A_94] : memref<10000x128xf32, #tpu.memory_space<hbm>> -> memref<10000x128xf32, #tpu.memory_space<hbm>>
        tpu.enqueue_indirect_dma source(%dma_start3A_95 : memref<10000x128xf32, #tpu.memory_space<hbm>>) target(%arg10 : memref<128x128xf32, #tpu.memory_space<vmem>>) offsets(%arg6 : memref<128xi32, #tpu.memory_space<vmem>>) semaphore(%arg13 : memref<!tpu.dma_semaphore, #tpu.memory_space<semaphore_mem>>)
      } else {
      }
      %lt3A_80 = arith.cmpi slt, %add3A_71, %select_n3A_19 : i32
      %convert_element_type3A_81 = arith.extui %lt3A_80 : i1 to i32
      %cond3A_82 = arith.constant 0 : i32
      %cond3A_83 = arith.cmpi ne, %convert_element_type3A_81, %cond3A_82 : i32
      scf.if %cond3A_83 {
        %dma_wait3A = arith.constant 0 : i32
        %dma_wait3A_84 = arith.constant 0 : i32
        %dma_wait3A_85 = tpu.memref_slice %arg2[%dma_wait3A, %dma_wait3A_84] : memref<10000x128xf32, #tpu.memory_space<hbm>> -> memref<10000x128xf32, #tpu.memory_space<hbm>>
        tpu.wait_indirect_dma semaphore(%arg14 : memref<!tpu.dma_semaphore, #tpu.memory_space<semaphore_mem>>) src(%dma_wait3A_85 : memref<10000x128xf32, #tpu.memory_space<hbm>>) dst(%arg11 : memref<128x128xf32, #tpu.memory_space<vmem>>)
        "tpu.region"() ({
          %run_scoped3A = tpu.sem_alloc : memref<!tpu.dma_semaphore, #tpu.memory_space<semaphore_mem>>
          %dma_start3A_86 = arith.constant 0 : i32
          %dma_start3A_87 = arith.constant 0 : i32
          %dma_start3A_88 = tpu.memref_slice %arg12[%dma_start3A_86, %dma_start3A_87] : memref<10000x128xf32, #tpu.memory_space<vmem_shared>> -> memref<10000x128xf32, #tpu.memory_space<vmem_shared>>
          tpu.enqueue_indirect_dma source(%arg11 : memref<128x128xf32, #tpu.memory_space<vmem>>) target(%dma_start3A_88 : memref<10000x128xf32, #tpu.memory_space<vmem_shared>>) offsets(%arg9 : memref<128xi32, #tpu.memory_space<vmem>>) semaphore(%run_scoped3A : memref<!tpu.dma_semaphore, #tpu.memory_space<semaphore_mem>>) {add = true}
          %dma_wait3A_89 = arith.constant 0 : i32
          %dma_wait3A_90 = arith.constant 0 : i32
          %dma_wait3A_91 = tpu.memref_slice %arg12[%dma_wait3A_89, %dma_wait3A_90] : memref<10000x128xf32, #tpu.memory_space<vmem_shared>> -> memref<10000x128xf32, #tpu.memory_space<vmem_shared>>
          tpu.wait_indirect_dma semaphore(%run_scoped3A : memref<!tpu.dma_semaphore, #tpu.memory_space<semaphore_mem>>) src(%arg11 : memref<128x128xf32, #tpu.memory_space<vmem>>) dst(%dma_wait3A_91 : memref<10000x128xf32, #tpu.memory_space<vmem_shared>>)
          tpu.yield
        }) : () -> ()
      } else {
      }
    }
    %scan3A_36 = arith.constant 40 : i32
    %barrier3A_37 = arith.constant 0 : index
    tpu.barrier barrier_id(%barrier3A_37)
    %mul3A_38 = arith.constant 10000 : i32
    %mul3A_39 = arith.muli %arg0, %mul3A_38 : i32
    %mul3A_40 = arith.constant 624 : i32
    %mul3A_41 = arith.muli %arg1, %mul3A_40 : i32
    %add3A_42 = arith.addi %mul3A_39, %mul3A_41 : i32
    %mul3A_43 = arith.constant 624 : i32
    %mul3A_44 = arith.muli %arg1, %mul3A_43 : i32
    "tpu.region"() ({
      %run_scoped3A = tpu.sem_alloc : memref<!tpu.dma_semaphore, #tpu.memory_space<semaphore_mem>>
      %dma_start3A_50 = arith.constant 0 : i32
      %dma_start3A_51 = tpu.memref_slice %arg5[%add3A_42, %dma_start3A_50] : memref<20000x128xf32, #tpu.memory_space<hbm>> -> memref<624x128xf32, #tpu.memory_space<hbm>>
      %dma_start3A_52 = arith.constant 0 : i32
      %dma_start3A_53 = tpu.memref_slice %arg12[%mul3A_44, %dma_start3A_52] : memref<10000x128xf32, #tpu.memory_space<vmem_shared>> -> memref<624x128xf32, #tpu.memory_space<vmem_shared>>
      tpu.enqueue_dma source(%dma_start3A_53 : memref<624x128xf32, #tpu.memory_space<vmem_shared>>) target(%dma_start3A_51 : memref<624x128xf32, #tpu.memory_space<hbm>>) target_semaphore(%run_scoped3A : memref<!tpu.dma_semaphore, #tpu.memory_space<semaphore_mem>>)
      %dma_wait3A = arith.constant 0 : i32
      %dma_wait3A_54 = tpu.memref_slice %arg5[%add3A_42, %dma_wait3A] : memref<20000x128xf32, #tpu.memory_space<hbm>> -> memref<624x128xf32, #tpu.memory_space<hbm>>
      %dma_wait3A_55 = arith.constant 0 : i32
      %dma_wait3A_56 = tpu.memref_slice %arg12[%mul3A_44, %dma_wait3A_55] : memref<10000x128xf32, #tpu.memory_space<vmem_shared>> -> memref<624x128xf32, #tpu.memory_space<vmem_shared>>
      tpu.wait_dma2 semaphore(%run_scoped3A : memref<!tpu.dma_semaphore, #tpu.memory_space<semaphore_mem>>) src(%dma_wait3A_56 : memref<624x128xf32, #tpu.memory_space<vmem_shared>>) dst(%dma_wait3A_54 : memref<624x128xf32, #tpu.memory_space<hbm>>)
      tpu.yield
    }) : () -> ()
    %eq3A_45 = arith.constant 15 : i32
    %eq3A_46 = arith.cmpi eq, %arg1, %eq3A_45 : i32
    %convert_element_type3A_47 = arith.extui %eq3A_46 : i1 to i32
    %cond3A_48 = arith.constant 0 : i32
    %cond3A_49 = arith.cmpi ne, %convert_element_type3A_47, %cond3A_48 : i32
    scf.if %cond3A_49 {
      %mul3A_50 = arith.constant 10000 : i32
      %mul3A_51 = arith.muli %arg0, %mul3A_50 : i32
      %add3A_52 = arith.constant 9984 : i32
      %add3A_53 = arith.addi %mul3A_51, %add3A_52 : i32
      "tpu.region"() ({
        %run_scoped3A = tpu.sem_alloc : memref<!tpu.dma_semaphore, #tpu.memory_space<semaphore_mem>>
        %dma_start3A_54 = arith.constant 0 : i32
        %dma_start3A_55 = tpu.memref_slice %arg5[%add3A_53, %dma_start3A_54] : memref<20000x128xf32, #tpu.memory_space<hbm>> -> memref<16x128xf32, #tpu.memory_space<hbm>>
        %dma_start3A_56 = arith.constant 9984 : i32
        %dma_start3A_57 = arith.constant 0 : i32
        %dma_start3A_58 = tpu.memref_slice %arg12[%dma_start3A_56, %dma_start3A_57] : memref<10000x128xf32, #tpu.memory_space<vmem_shared>> -> memref<16x128xf32, #tpu.memory_space<vmem_shared>>
        tpu.enqueue_dma source(%dma_start3A_58 : memref<16x128xf32, #tpu.memory_space<vmem_shared>>) target(%dma_start3A_55 : memref<16x128xf32, #tpu.memory_space<hbm>>) target_semaphore(%run_scoped3A : memref<!tpu.dma_semaphore, #tpu.memory_space<semaphore_mem>>)
        %dma_wait3A = arith.constant 0 : i32
        %dma_wait3A_59 = tpu.memref_slice %arg5[%add3A_53, %dma_wait3A] : memref<20000x128xf32, #tpu.memory_space<hbm>> -> memref<16x128xf32, #tpu.memory_space<hbm>>
        %dma_wait3A_60 = arith.constant 9984 : i32
        %dma_wait3A_61 = arith.constant 0 : i32
        %dma_wait3A_62 = tpu.memref_slice %arg12[%dma_wait3A_60, %dma_wait3A_61] : memref<10000x128xf32, #tpu.memory_space<vmem_shared>> -> memref<16x128xf32, #tpu.memory_space<vmem_shared>>
        tpu.wait_dma2 semaphore(%run_scoped3A : memref<!tpu.dma_semaphore, #tpu.memory_space<semaphore_mem>>) src(%dma_wait3A_62 : memref<16x128xf32, #tpu.memory_space<vmem_shared>>) dst(%dma_wait3A_59 : memref<16x128xf32, #tpu.memory_space<hbm>>)
        tpu.yield
      }) : () -> ()
    } else {
    }
    return
  }
}

#map = affine_map<(d0, d1) -> (0)>
#map1 = affine_map<(d0, d1) -> (0, 0)>
module attributes {stable_mosaic.version = 14 : i64} {
  func.func @_sc_count(%arg0: i32, %arg1: i32, %arg2: memref<320000xi32, #tpu.memory_space<hbm>>, %arg3: memref<20000x128xf32, #tpu.memory_space<hbm>>, %arg4: memref<128xi32, #tpu.memory_space<vmem>>, %arg5: memref<128xi32, #tpu.memory_space<vmem>>, %arg6: memref<128x128xf32, #tpu.memory_space<vmem>>, %arg7: memref<10000x128xf32, #tpu.memory_space<vmem_shared>>, %arg8: memref<!tpu.dma_semaphore, #tpu.memory_space<semaphore_mem>>, %arg9: memref<!tpu.dma_semaphore, #tpu.memory_space<semaphore_mem>>) attributes {dimension_semantics = [#tpu.dimension_semantics<core_parallel>, #tpu.dimension_semantics<subcore_parallel>], iteration_bounds = array<i64: 2, 16>, scalar_prefetch = 0 : i64, scratch_operands = 6 : i64, tpu.core_type = #tpu.core_type<sc_vector_subcore>, window_params = [{transform_indices = #map}, {transform_indices = #map1}]} {
    %mul3A = arith.constant 16 : i32
    %mul3A_0 = arith.muli %arg0, %mul3A : i32
    %add3A = arith.addi %mul3A_0, %arg1 : i32
    %broadcast_in_dim3A = arith.constant 0.000000e+00 : f32
    %broadcast_in_dim3A_1 = vector.broadcast %broadcast_in_dim3A : f32 to vector<16xf32>
    %broadcast_in_dim3A_2 = arith.constant 1.000000e+00 : f32
    %broadcast_in_dim3A_3 = vector.broadcast %broadcast_in_dim3A_2 : f32 to vector<16xf32>
    %scan3A = arith.constant 0 : i32
    %scan3A_4 = arith.constant 128 : i32
    %scan3A_5 = arith.addi %scan3A, %scan3A_4 : i32
    %scan3A_6 = arith.constant 1 : i32
    scf.for %scan3A_51 = %scan3A to %scan3A_5 step %scan3A_6  : i32 {
      %mul3A_52 = arith.constant 1 : i32
      %mul3A_53 = arith.muli %scan3A_51, %mul3A_52 : i32
      %add3A_54 = arith.constant 0 : i32
      %add3A_55 = arith.addi %add3A_54, %mul3A_53 : i32
      %scan3A_56 = arith.constant 0 : i32
      %scan3A_57 = arith.constant 8 : i32
      %scan3A_58 = arith.addi %scan3A_56, %scan3A_57 : i32
      %scan3A_59 = arith.constant 1 : i32
      scf.for %scan3A_61 = %scan3A_56 to %scan3A_58 step %scan3A_59  : i32 {
        %mul3A_62 = arith.constant 1 : i32
        %mul3A_63 = arith.muli %scan3A_61, %mul3A_62 : i32
        %add3A_64 = arith.constant 0 : i32
        %add3A_65 = arith.addi %add3A_64, %mul3A_63 : i32
        %mul3A_66 = arith.constant 16 : i32
        %mul3A_67 = arith.muli %add3A_65, %mul3A_66 : i32
        %swap3A = arith.index_cast %add3A_55 : i32 to index
        %swap3A_68 = arith.index_cast %mul3A_67 : i32 to index
        %swap3A_69 = tpu.vector_load %arg6[%swap3A, %swap3A_68] {strides = array<i32>} : memref<128x128xf32, #tpu.memory_space<vmem>>, vector<1x16xf32>,
        %swap3A_70 = vector.shape_cast %swap3A_69 : vector<1x16xf32> to vector<16xf32>
        %swap3A_71 = vector.shape_cast %broadcast_in_dim3A_1 : vector<16xf32> to vector<1x16xf32>
        tpu.vector_store %arg6[%swap3A, %swap3A_68], %swap3A_71 {strides = array<i32>} : memref<128x128xf32, #tpu.memory_space<vmem>>, vector<1x16xf32>,
      }
      %scan3A_60 = arith.constant 8 : i32
    }
    %scan3A_7 = arith.constant 128 : i32
    %mul3A_8 = arith.constant 624 : i32
    %mul3A_9 = arith.muli %arg1, %mul3A_8 : i32
    %scan3A_10 = arith.constant 0 : i32
    %scan3A_11 = arith.constant 4 : i32
    %scan3A_12 = arith.addi %scan3A_10, %scan3A_11 : i32
    %scan3A_13 = arith.constant 1 : i32
    scf.for %scan3A_51 = %scan3A_10 to %scan3A_12 step %scan3A_13  : i32 {
      %mul3A_52 = arith.constant 1 : i32
      %mul3A_53 = arith.muli %scan3A_51, %mul3A_52 : i32
      %add3A_54 = arith.constant 0 : i32
      %add3A_55 = arith.addi %add3A_54, %mul3A_53 : i32
      %mul3A_56 = arith.constant 128 : i32
      %mul3A_57 = arith.muli %add3A_55, %mul3A_56 : i32
      %add3A_58 = arith.addi %mul3A_9, %mul3A_57 : i32
      "tpu.region"() ({
        %run_scoped3A = tpu.sem_alloc : memref<!tpu.dma_semaphore, #tpu.memory_space<semaphore_mem>>
        %dma_start3A = arith.constant 0 : i32
        %dma_start3A_59 = tpu.memref_slice %arg7[%add3A_58, %dma_start3A] : memref<10000x128xf32, #tpu.memory_space<vmem_shared>> -> memref<128x128xf32, #tpu.memory_space<vmem_shared>>
        %dma_start3A_60 = arith.constant 0 : i32
        %dma_start3A_61 = tpu.memref_slice %arg7[%add3A_58, %dma_start3A_60] : memref<10000x128xf32, #tpu.memory_space<vmem_shared>> -> memref<128x128xf32, #tpu.memory_space<vmem_shared>>
        tpu.enqueue_dma source(%arg6 : memref<128x128xf32, #tpu.memory_space<vmem>>) target(%dma_start3A_61 : memref<128x128xf32, #tpu.memory_space<vmem_shared>>) target_semaphore(%run_scoped3A : memref<!tpu.dma_semaphore, #tpu.memory_space<semaphore_mem>>)
        %dma_wait3A = arith.constant 0 : i32
        %dma_wait3A_62 = tpu.memref_slice %arg7[%add3A_58, %dma_wait3A] : memref<10000x128xf32, #tpu.memory_space<vmem_shared>> -> memref<128x128xf32, #tpu.memory_space<vmem_shared>>
        %dma_wait3A_63 = arith.constant 0 : i32
        %dma_wait3A_64 = tpu.memref_slice %arg7[%add3A_58, %dma_wait3A_63] : memref<10000x128xf32, #tpu.memory_space<vmem_shared>> -> memref<128x128xf32, #tpu.memory_space<vmem_shared>>
        tpu.wait_dma2 semaphore(%run_scoped3A : memref<!tpu.dma_semaphore, #tpu.memory_space<semaphore_mem>>) src(%arg6 : memref<128x128xf32, #tpu.memory_space<vmem>>) dst(%dma_wait3A_64 : memref<128x128xf32, #tpu.memory_space<vmem_shared>>)
        tpu.yield
      }) : () -> ()
    }
    %scan3A_14 = arith.constant 4 : i32
    %add3A_15 = arith.constant 512 : i32
    %add3A_16 = arith.addi %mul3A_9, %add3A_15 : i32
    "tpu.region"() ({
      %run_scoped3A = tpu.sem_alloc : memref<!tpu.dma_semaphore, #tpu.memory_space<semaphore_mem>>
      %dma_start3A = arith.constant 0 : i32
      %dma_start3A_51 = arith.constant 0 : i32
      %dma_start3A_52 = tpu.memref_slice %arg6[%dma_start3A, %dma_start3A_51] : memref<128x128xf32, #tpu.memory_space<vmem>> -> memref<112x128xf32, #tpu.memory_space<vmem>>
      %dma_start3A_53 = arith.constant 0 : i32
      %dma_start3A_54 = tpu.memref_slice %arg7[%add3A_16, %dma_start3A_53] : memref<10000x128xf32, #tpu.memory_space<vmem_shared>> -> memref<112x128xf32, #tpu.memory_space<vmem_shared>>
      %dma_start3A_55 = arith.constant 0 : i32
      %dma_start3A_56 = tpu.memref_slice %arg7[%add3A_16, %dma_start3A_55] : memref<10000x128xf32, #tpu.memory_space<vmem_shared>> -> memref<112x128xf32, #tpu.memory_space<vmem_shared>>
      %dma_start3A_57 = arith.constant 0 : i32
      %dma_start3A_58 = arith.constant 0 : i32
      %dma_start3A_59 = tpu.memref_slice %arg6[%dma_start3A_57, %dma_start3A_58] : memref<128x128xf32, #tpu.memory_space<vmem>> -> memref<112x128xf32, #tpu.memory_space<vmem>>
      tpu.enqueue_dma source(%dma_start3A_59 : memref<112x128xf32, #tpu.memory_space<vmem>>) target(%dma_start3A_56 : memref<112x128xf32, #tpu.memory_space<vmem_shared>>) target_semaphore(%run_scoped3A : memref<!tpu.dma_semaphore, #tpu.memory_space<semaphore_mem>>)
      %dma_wait3A = arith.constant 0 : i32
      %dma_wait3A_60 = arith.constant 0 : i32
      %dma_wait3A_61 = tpu.memref_slice %arg6[%dma_wait3A, %dma_wait3A_60] : memref<128x128xf32, #tpu.memory_space<vmem>> -> memref<112x128xf32, #tpu.memory_space<vmem>>
      %dma_wait3A_62 = arith.constant 0 : i32
      %dma_wait3A_63 = tpu.memref_slice %arg7[%add3A_16, %dma_wait3A_62] : memref<10000x128xf32, #tpu.memory_space<vmem_shared>> -> memref<112x128xf32, #tpu.memory_space<vmem_shared>>
      %dma_wait3A_64 = arith.constant 0 : i32
      %dma_wait3A_65 = tpu.memref_slice %arg7[%add3A_16, %dma_wait3A_64] : memref<10000x128xf32, #tpu.memory_space<vmem_shared>> -> memref<112x128xf32, #tpu.memory_space<vmem_shared>>
      %dma_wait3A_66 = arith.constant 0 : i32
      %dma_wait3A_67 = arith.constant 0 : i32
      %dma_wait3A_68 = tpu.memref_slice %arg6[%dma_wait3A_66, %dma_wait3A_67] : memref<128x128xf32, #tpu.memory_space<vmem>> -> memref<112x128xf32, #tpu.memory_space<vmem>>
      tpu.wait_dma2 semaphore(%run_scoped3A : memref<!tpu.dma_semaphore, #tpu.memory_space<semaphore_mem>>) src(%dma_wait3A_68 : memref<112x128xf32, #tpu.memory_space<vmem>>) dst(%dma_wait3A_65 : memref<112x128xf32, #tpu.memory_space<vmem_shared>>)
      tpu.yield
    }) : () -> ()
    %eq3A = arith.constant 15 : i32
    %eq3A_17 = arith.cmpi eq, %arg1, %eq3A : i32
    %convert_element_type3A = arith.extui %eq3A_17 : i1 to i32
    %cond3A = arith.constant 0 : i32
    %cond3A_18 = arith.cmpi ne, %convert_element_type3A, %cond3A : i32
    scf.if %cond3A_18 {
      "tpu.region"() ({
        %run_scoped3A = tpu.sem_alloc : memref<!tpu.dma_semaphore, #tpu.memory_space<semaphore_mem>>
        %dma_start3A = arith.constant 0 : i32
        %dma_start3A_51 = arith.constant 0 : i32
        %dma_start3A_52 = tpu.memref_slice %arg6[%dma_start3A, %dma_start3A_51] : memref<128x128xf32, #tpu.memory_space<vmem>> -> memref<16x128xf32, #tpu.memory_space<vmem>>
        %dma_start3A_53 = arith.constant 9984 : i32
        %dma_start3A_54 = arith.constant 0 : i32
        %dma_start3A_55 = tpu.memref_slice %arg7[%dma_start3A_53, %dma_start3A_54] : memref<10000x128xf32, #tpu.memory_space<vmem_shared>> -> memref<16x128xf32, #tpu.memory_space<vmem_shared>>
        %dma_start3A_56 = arith.constant 9984 : i32
        %dma_start3A_57 = arith.constant 0 : i32
        %dma_start3A_58 = tpu.memref_slice %arg7[%dma_start3A_56, %dma_start3A_57] : memref<10000x128xf32, #tpu.memory_space<vmem_shared>> -> memref<16x128xf32, #tpu.memory_space<vmem_shared>>
        %dma_start3A_59 = arith.constant 0 : i32
        %dma_start3A_60 = arith.constant 0 : i32
        %dma_start3A_61 = tpu.memref_slice %arg6[%dma_start3A_59, %dma_start3A_60] : memref<128x128xf32, #tpu.memory_space<vmem>> -> memref<16x128xf32, #tpu.memory_space<vmem>>
        tpu.enqueue_dma source(%dma_start3A_61 : memref<16x128xf32, #tpu.memory_space<vmem>>) target(%dma_start3A_58 : memref<16x128xf32, #tpu.memory_space<vmem_shared>>) target_semaphore(%run_scoped3A : memref<!tpu.dma_semaphore, #tpu.memory_space<semaphore_mem>>)
        %dma_wait3A = arith.constant 0 : i32
        %dma_wait3A_62 = arith.constant 0 : i32
        %dma_wait3A_63 = tpu.memref_slice %arg6[%dma_wait3A, %dma_wait3A_62] : memref<128x128xf32, #tpu.memory_space<vmem>> -> memref<16x128xf32, #tpu.memory_space<vmem>>
        %dma_wait3A_64 = arith.constant 9984 : i32
        %dma_wait3A_65 = arith.constant 0 : i32
        %dma_wait3A_66 = tpu.memref_slice %arg7[%dma_wait3A_64, %dma_wait3A_65] : memref<10000x128xf32, #tpu.memory_space<vmem_shared>> -> memref<16x128xf32, #tpu.memory_space<vmem_shared>>
        %dma_wait3A_67 = arith.constant 9984 : i32
        %dma_wait3A_68 = arith.constant 0 : i32
        %dma_wait3A_69 = tpu.memref_slice %arg7[%dma_wait3A_67, %dma_wait3A_68] : memref<10000x128xf32, #tpu.memory_space<vmem_shared>> -> memref<16x128xf32, #tpu.memory_space<vmem_shared>>
        %dma_wait3A_70 = arith.constant 0 : i32
        %dma_wait3A_71 = arith.constant 0 : i32
        %dma_wait3A_72 = tpu.memref_slice %arg6[%dma_wait3A_70, %dma_wait3A_71] : memref<128x128xf32, #tpu.memory_space<vmem>> -> memref<16x128xf32, #tpu.memory_space<vmem>>
        tpu.wait_dma2 semaphore(%run_scoped3A : memref<!tpu.dma_semaphore, #tpu.memory_space<semaphore_mem>>) src(%dma_wait3A_72 : memref<16x128xf32, #tpu.memory_space<vmem>>) dst(%dma_wait3A_69 : memref<16x128xf32, #tpu.memory_space<vmem_shared>>)
        tpu.yield
      }) : () -> ()
    } else {
    }
    %scan3A_19 = arith.constant 0 : i32
    %scan3A_20 = arith.constant 128 : i32
    %scan3A_21 = arith.addi %scan3A_19, %scan3A_20 : i32
    %scan3A_22 = arith.constant 1 : i32
    scf.for %scan3A_51 = %scan3A_19 to %scan3A_21 step %scan3A_22  : i32 {
      %mul3A_52 = arith.constant 1 : i32
      %mul3A_53 = arith.muli %scan3A_51, %mul3A_52 : i32
      %add3A_54 = arith.constant 0 : i32
      %add3A_55 = arith.addi %add3A_54, %mul3A_53 : i32
      %swap3A = arith.index_cast %add3A_55 : i32 to index
      %swap3A_56 = arith.constant 0 : index
      %swap3A_57 = tpu.vector_load %arg6[%swap3A, %swap3A_56] {strides = array<i32>} : memref<128x128xf32, #tpu.memory_space<vmem>>, vector<1x16xf32>,
      %swap3A_58 = vector.shape_cast %swap3A_57 : vector<1x16xf32> to vector<16xf32>
      %swap3A_59 = vector.shape_cast %broadcast_in_dim3A_3 : vector<16xf32> to vector<1x16xf32>
      tpu.vector_store %arg6[%swap3A, %swap3A_56], %swap3A_59 {strides = array<i32>} : memref<128x128xf32, #tpu.memory_space<vmem>>, vector<1x16xf32>,
    }
    %scan3A_23 = arith.constant 128 : i32
    %barrier3A = arith.constant 0 : index
    tpu.barrier barrier_id(%barrier3A)
    %lt3A = arith.constant 4 : i32
    %lt3A_24 = arith.cmpi slt, %add3A, %lt3A : i32
    %select_n3A = arith.constant 78 : i32
    %select_n3A_25 = arith.constant 79 : i32
    %select_n3A_26 = arith.select %lt3A_24, %select_n3A_25, %select_n3A : i32
    %mul3A_27 = arith.constant 78 : i32
    %mul3A_28 = arith.muli %add3A, %mul3A_27 : i32
    %min3A = arith.constant 4 : i32
    %min3A_29 = arith.minsi %add3A, %min3A : i32
    %add3A_30 = arith.addi %mul3A_28, %min3A_29 : i32
    %mul3A_31 = arith.constant 128 : i32
    %mul3A_32 = arith.muli %add3A_30, %mul3A_31 : i32
    "tpu.region"() ({
      %run_scoped3A = tpu.sem_alloc : memref<!tpu.dma_semaphore, #tpu.memory_space<semaphore_mem>>
      %dma_start3A = tpu.memref_slice %arg2[%mul3A_32] : memref<320000xi32, #tpu.memory_space<hbm>> -> memref<128xi32, #tpu.memory_space<hbm>>
      %dma_start3A_51 = tpu.memref_slice %arg2[%mul3A_32] : memref<320000xi32, #tpu.memory_space<hbm>> -> memref<128xi32, #tpu.memory_space<hbm>>
      tpu.enqueue_dma source(%dma_start3A_51 : memref<128xi32, #tpu.memory_space<hbm>>) target(%arg4 : memref<128xi32, #tpu.memory_space<vmem>>) target_semaphore(%run_scoped3A : memref<!tpu.dma_semaphore, #tpu.memory_space<semaphore_mem>>)
      %dma_wait3A = tpu.memref_slice %arg2[%mul3A_32] : memref<320000xi32, #tpu.memory_space<hbm>> -> memref<128xi32, #tpu.memory_space<hbm>>
      %dma_wait3A_52 = tpu.memref_slice %arg2[%mul3A_32] : memref<320000xi32, #tpu.memory_space<hbm>> -> memref<128xi32, #tpu.memory_space<hbm>>
      tpu.wait_dma2 semaphore(%run_scoped3A : memref<!tpu.dma_semaphore, #tpu.memory_space<semaphore_mem>>) src(%dma_wait3A_52 : memref<128xi32, #tpu.memory_space<hbm>>) dst(%arg4 : memref<128xi32, #tpu.memory_space<vmem>>)
      tpu.yield
    }) : () -> ()
    %scan3A_33 = arith.constant 0 : i32
    %scan3A_34 = arith.constant 40 : i32
    %scan3A_35 = arith.addi %scan3A_33, %scan3A_34 : i32
    %scan3A_36 = arith.constant 1 : i32
    scf.for %scan3A_51 = %scan3A_33 to %scan3A_35 step %scan3A_36  : i32 {
      %mul3A_52 = arith.constant 1 : i32
      %mul3A_53 = arith.muli %scan3A_51, %mul3A_52 : i32
      %add3A_54 = arith.constant 0 : i32
      %add3A_55 = arith.addi %add3A_54, %mul3A_53 : i32
      %mul3A_56 = arith.constant 2 : i32
      %mul3A_57 = arith.muli %mul3A_56, %add3A_55 : i32
      %add3A_58 = arith.constant 1 : i32
      %add3A_59 = arith.addi %mul3A_57, %add3A_58 : i32
      %lt3A_60 = arith.cmpi slt, %add3A_59, %select_n3A_26 : i32
      %convert_element_type3A_61 = arith.extui %lt3A_60 : i1 to i32
      %cond3A_62 = arith.constant 0 : i32
      %cond3A_63 = arith.cmpi ne, %convert_element_type3A_61, %cond3A_62 : i32
      scf.if %cond3A_63 {
        %add3A_92 = arith.constant 1 : i32
        %add3A_93 = arith.addi %mul3A_57, %add3A_92 : i32
        %mul3A_94 = arith.constant 128 : i32
        %mul3A_95 = arith.muli %add3A_93, %mul3A_94 : i32
        %add3A_96 = arith.addi %mul3A_32, %mul3A_95 : i32
        %dma_start3A = tpu.memref_slice %arg2[%add3A_96] : memref<320000xi32, #tpu.memory_space<hbm>> -> memref<128xi32, #tpu.memory_space<hbm>>
        %dma_start3A_97 = tpu.memref_slice %arg2[%add3A_96] : memref<320000xi32, #tpu.memory_space<hbm>> -> memref<128xi32, #tpu.memory_space<hbm>>
        tpu.enqueue_dma source(%dma_start3A_97 : memref<128xi32, #tpu.memory_space<hbm>>) target(%arg5 : memref<128xi32, #tpu.memory_space<vmem>>) target_semaphore(%arg9 : memref<!tpu.dma_semaphore, #tpu.memory_space<semaphore_mem>>)
      } else {
      }
      %lt3A_64 = arith.cmpi slt, %mul3A_57, %select_n3A_26 : i32
      %convert_element_type3A_65 = arith.extui %lt3A_64 : i1 to i32
      %cond3A_66 = arith.constant 0 : i32
      %cond3A_67 = arith.cmpi ne, %convert_element_type3A_65, %cond3A_66 : i32
      scf.if %cond3A_67 {
        "tpu.region"() ({
          %run_scoped3A = tpu.sem_alloc : memref<!tpu.dma_semaphore, #tpu.memory_space<semaphore_mem>>
          %dma_start3A = arith.constant 0 : i32
          %dma_start3A_92 = arith.constant 0 : i32
          %dma_start3A_93 = tpu.memref_slice %arg7[%dma_start3A, %dma_start3A_92] : memref<10000x128xf32, #tpu.memory_space<vmem_shared>> -> memref<10000x128xf32, #tpu.memory_space<vmem_shared>>
          tpu.enqueue_indirect_dma source(%arg6 : memref<128x128xf32, #tpu.memory_space<vmem>>) target(%dma_start3A_93 : memref<10000x128xf32, #tpu.memory_space<vmem_shared>>) offsets(%arg4 : memref<128xi32, #tpu.memory_space<vmem>>) semaphore(%run_scoped3A : memref<!tpu.dma_semaphore, #tpu.memory_space<semaphore_mem>>) {add = true}
          %dma_wait3A = arith.constant 0 : i32
          %dma_wait3A_94 = arith.constant 0 : i32
          %dma_wait3A_95 = tpu.memref_slice %arg7[%dma_wait3A, %dma_wait3A_94] : memref<10000x128xf32, #tpu.memory_space<vmem_shared>> -> memref<10000x128xf32, #tpu.memory_space<vmem_shared>>
          tpu.wait_indirect_dma semaphore(%run_scoped3A : memref<!tpu.dma_semaphore, #tpu.memory_space<semaphore_mem>>) src(%arg6 : memref<128x128xf32, #tpu.memory_space<vmem>>) dst(%dma_wait3A_95 : memref<10000x128xf32, #tpu.memory_space<vmem_shared>>)
          tpu.yield
        }) : () -> ()
      } else {
      }
      %add3A_68 = arith.constant 1 : i32
      %add3A_69 = arith.addi %mul3A_57, %add3A_68 : i32
      %lt3A_70 = arith.cmpi slt, %add3A_69, %select_n3A_26 : i32
      %convert_element_type3A_71 = arith.extui %lt3A_70 : i1 to i32
      %cond3A_72 = arith.constant 0 : i32
      %cond3A_73 = arith.cmpi ne, %convert_element_type3A_71, %cond3A_72 : i32
      scf.if %cond3A_73 {
        %dma_wait3A = tpu.memref_slice %arg2[%mul3A_32] : memref<320000xi32, #tpu.memory_space<hbm>> -> memref<128xi32, #tpu.memory_space<hbm>>
        %dma_wait3A_92 = tpu.memref_slice %arg2[%mul3A_32] : memref<320000xi32, #tpu.memory_space<hbm>> -> memref<128xi32, #tpu.memory_space<hbm>>
        tpu.wait_dma2 semaphore(%arg9 : memref<!tpu.dma_semaphore, #tpu.memory_space<semaphore_mem>>) src(%dma_wait3A_92 : memref<128xi32, #tpu.memory_space<hbm>>) dst(%arg5 : memref<128xi32, #tpu.memory_space<vmem>>)
      } else {
      }
      %add3A_74 = arith.constant 2 : i32
      %add3A_75 = arith.addi %mul3A_57, %add3A_74 : i32
      %lt3A_76 = arith.cmpi slt, %add3A_75, %select_n3A_26 : i32
      %convert_element_type3A_77 = arith.extui %lt3A_76 : i1 to i32
      %cond3A_78 = arith.constant 0 : i32
      %cond3A_79 = arith.cmpi ne, %convert_element_type3A_77, %cond3A_78 : i32
      scf.if %cond3A_79 {
        %add3A_92 = arith.constant 2 : i32
        %add3A_93 = arith.addi %mul3A_57, %add3A_92 : i32
        %mul3A_94 = arith.constant 128 : i32
        %mul3A_95 = arith.muli %add3A_93, %mul3A_94 : i32
        %add3A_96 = arith.addi %mul3A_32, %mul3A_95 : i32
        %dma_start3A = tpu.memref_slice %arg2[%add3A_96] : memref<320000xi32, #tpu.memory_space<hbm>> -> memref<128xi32, #tpu.memory_space<hbm>>
        %dma_start3A_97 = tpu.memref_slice %arg2[%add3A_96] : memref<320000xi32, #tpu.memory_space<hbm>> -> memref<128xi32, #tpu.memory_space<hbm>>
        tpu.enqueue_dma source(%dma_start3A_97 : memref<128xi32, #tpu.memory_space<hbm>>) target(%arg4 : memref<128xi32, #tpu.memory_space<vmem>>) target_semaphore(%arg8 : memref<!tpu.dma_semaphore, #tpu.memory_space<semaphore_mem>>)
      } else {
      }
      %add3A_80 = arith.constant 1 : i32
      %add3A_81 = arith.addi %mul3A_57, %add3A_80 : i32
      %lt3A_82 = arith.cmpi slt, %add3A_81, %select_n3A_26 : i32
      %convert_element_type3A_83 = arith.extui %lt3A_82 : i1 to i32
      %cond3A_84 = arith.constant 0 : i32
      %cond3A_85 = arith.cmpi ne, %convert_element_type3A_83, %cond3A_84 : i32
      scf.if %cond3A_85 {
        "tpu.region"() ({
          %run_scoped3A = tpu.sem_alloc : memref<!tpu.dma_semaphore, #tpu.memory_space<semaphore_mem>>
          %dma_start3A = arith.constant 0 : i32
          %dma_start3A_92 = arith.constant 0 : i32
          %dma_start3A_93 = tpu.memref_slice %arg7[%dma_start3A, %dma_start3A_92] : memref<10000x128xf32, #tpu.memory_space<vmem_shared>> -> memref<10000x128xf32, #tpu.memory_space<vmem_shared>>
          tpu.enqueue_indirect_dma source(%arg6 : memref<128x128xf32, #tpu.memory_space<vmem>>) target(%dma_start3A_93 : memref<10000x128xf32, #tpu.memory_space<vmem_shared>>) offsets(%arg5 : memref<128xi32, #tpu.memory_space<vmem>>) semaphore(%run_scoped3A : memref<!tpu.dma_semaphore, #tpu.memory_space<semaphore_mem>>) {add = true}
          %dma_wait3A = arith.constant 0 : i32
          %dma_wait3A_94 = arith.constant 0 : i32
          %dma_wait3A_95 = tpu.memref_slice %arg7[%dma_wait3A, %dma_wait3A_94] : memref<10000x128xf32, #tpu.memory_space<vmem_shared>> -> memref<10000x128xf32, #tpu.memory_space<vmem_shared>>
          tpu.wait_indirect_dma semaphore(%run_scoped3A : memref<!tpu.dma_semaphore, #tpu.memory_space<semaphore_mem>>) src(%arg6 : memref<128x128xf32, #tpu.memory_space<vmem>>) dst(%dma_wait3A_95 : memref<10000x128xf32, #tpu.memory_space<vmem_shared>>)
          tpu.yield
        }) : () -> ()
      } else {
      }
      %add3A_86 = arith.constant 2 : i32
      %add3A_87 = arith.addi %mul3A_57, %add3A_86 : i32
      %lt3A_88 = arith.cmpi slt, %add3A_87, %select_n3A_26 : i32
      %convert_element_type3A_89 = arith.extui %lt3A_88 : i1 to i32
      %cond3A_90 = arith.constant 0 : i32
      %cond3A_91 = arith.cmpi ne, %convert_element_type3A_89, %cond3A_90 : i32
      scf.if %cond3A_91 {
        %dma_wait3A = tpu.memref_slice %arg2[%mul3A_32] : memref<320000xi32, #tpu.memory_space<hbm>> -> memref<128xi32, #tpu.memory_space<hbm>>
        %dma_wait3A_92 = tpu.memref_slice %arg2[%mul3A_32] : memref<320000xi32, #tpu.memory_space<hbm>> -> memref<128xi32, #tpu.memory_space<hbm>>
        tpu.wait_dma2 semaphore(%arg8 : memref<!tpu.dma_semaphore, #tpu.memory_space<semaphore_mem>>) src(%dma_wait3A_92 : memref<128xi32, #tpu.memory_space<hbm>>) dst(%arg4 : memref<128xi32, #tpu.memory_space<vmem>>)
      } else {
      }
    }
    %scan3A_37 = arith.constant 40 : i32
    %barrier3A_38 = arith.constant 0 : index
    tpu.barrier barrier_id(%barrier3A_38)
    %mul3A_39 = arith.constant 10000 : i32
    %mul3A_40 = arith.muli %arg0, %mul3A_39 : i32
    %mul3A_41 = arith.constant 624 : i32
    %mul3A_42 = arith.muli %arg1, %mul3A_41 : i32
    %add3A_43 = arith.addi %mul3A_40, %mul3A_42 : i32
    %mul3A_44 = arith.constant 624 : i32
    %mul3A_45 = arith.muli %arg1, %mul3A_44 : i32
    "tpu.region"() ({
      %run_scoped3A = tpu.sem_alloc : memref<!tpu.dma_semaphore, #tpu.memory_space<semaphore_mem>>
      %dma_start3A = arith.constant 0 : i32
      %dma_start3A_51 = tpu.memref_slice %arg3[%add3A_43, %dma_start3A] : memref<20000x128xf32, #tpu.memory_space<hbm>> -> memref<624x128xf32, #tpu.memory_space<hbm>>
      %dma_start3A_52 = arith.constant 0 : i32
      %dma_start3A_53 = tpu.memref_slice %arg7[%mul3A_45, %dma_start3A_52] : memref<10000x128xf32, #tpu.memory_space<vmem_shared>> -> memref<624x128xf32, #tpu.memory_space<vmem_shared>>
      tpu.enqueue_dma source(%dma_start3A_53 : memref<624x128xf32, #tpu.memory_space<vmem_shared>>) target(%dma_start3A_51 : memref<624x128xf32, #tpu.memory_space<hbm>>) target_semaphore(%run_scoped3A : memref<!tpu.dma_semaphore, #tpu.memory_space<semaphore_mem>>)
      %dma_wait3A = arith.constant 0 : i32
      %dma_wait3A_54 = tpu.memref_slice %arg3[%add3A_43, %dma_wait3A] : memref<20000x128xf32, #tpu.memory_space<hbm>> -> memref<624x128xf32, #tpu.memory_space<hbm>>
      %dma_wait3A_55 = arith.constant 0 : i32
      %dma_wait3A_56 = tpu.memref_slice %arg7[%mul3A_45, %dma_wait3A_55] : memref<10000x128xf32, #tpu.memory_space<vmem_shared>> -> memref<624x128xf32, #tpu.memory_space<vmem_shared>>
      tpu.wait_dma2 semaphore(%run_scoped3A : memref<!tpu.dma_semaphore, #tpu.memory_space<semaphore_mem>>) src(%dma_wait3A_56 : memref<624x128xf32, #tpu.memory_space<vmem_shared>>) dst(%dma_wait3A_54 : memref<624x128xf32, #tpu.memory_space<hbm>>)
      tpu.yield
    }) : () -> ()
    %eq3A_46 = arith.constant 15 : i32
    %eq3A_47 = arith.cmpi eq, %arg1, %eq3A_46 : i32
    %convert_element_type3A_48 = arith.extui %eq3A_47 : i1 to i32
    %cond3A_49 = arith.constant 0 : i32
    %cond3A_50 = arith.cmpi ne, %convert_element_type3A_48, %cond3A_49 : i32
    scf.if %cond3A_50 {
      %mul3A_51 = arith.constant 10000 : i32
      %mul3A_52 = arith.muli %arg0, %mul3A_51 : i32
      %add3A_53 = arith.constant 9984 : i32
      %add3A_54 = arith.addi %mul3A_52, %add3A_53 : i32
      "tpu.region"() ({
        %run_scoped3A = tpu.sem_alloc : memref<!tpu.dma_semaphore, #tpu.memory_space<semaphore_mem>>
        %dma_start3A = arith.constant 0 : i32
        %dma_start3A_55 = tpu.memref_slice %arg3[%add3A_54, %dma_start3A] : memref<20000x128xf32, #tpu.memory_space<hbm>> -> memref<16x128xf32, #tpu.memory_space<hbm>>
        %dma_start3A_56 = arith.constant 9984 : i32
        %dma_start3A_57 = arith.constant 0 : i32
        %dma_start3A_58 = tpu.memref_slice %arg7[%dma_start3A_56, %dma_start3A_57] : memref<10000x128xf32, #tpu.memory_space<vmem_shared>> -> memref<16x128xf32, #tpu.memory_space<vmem_shared>>
        tpu.enqueue_dma source(%dma_start3A_58 : memref<16x128xf32, #tpu.memory_space<vmem_shared>>) target(%dma_start3A_55 : memref<16x128xf32, #tpu.memory_space<hbm>>) target_semaphore(%run_scoped3A : memref<!tpu.dma_semaphore, #tpu.memory_space<semaphore_mem>>)
        %dma_wait3A = arith.constant 0 : i32
        %dma_wait3A_59 = tpu.memref_slice %arg3[%add3A_54, %dma_wait3A] : memref<20000x128xf32, #tpu.memory_space<hbm>> -> memref<16x128xf32, #tpu.memory_space<hbm>>
        %dma_wait3A_60 = arith.constant 9984 : i32
        %dma_wait3A_61 = arith.constant 0 : i32
        %dma_wait3A_62 = tpu.memref_slice %arg7[%dma_wait3A_60, %dma_wait3A_61] : memref<10000x128xf32, #tpu.memory_space<vmem_shared>> -> memref<16x128xf32, #tpu.memory_space<vmem_shared>>
        tpu.wait_dma2 semaphore(%run_scoped3A : memref<!tpu.dma_semaphore, #tpu.memory_space<semaphore_mem>>) src(%dma_wait3A_62 : memref<16x128xf32, #tpu.memory_space<vmem_shared>>) dst(%dma_wait3A_59 : memref<16x128xf32, #tpu.memory_space<hbm>>)
        tpu.yield
      }) : () -> ()
    } else {
    }
    return
  }
}

module attributes {stable_mosaic.version = 14 : i64} {
  func.func @_tc_body(%arg0: i32, %arg1: memref<2000x128xf32, #tpu.memory_space<vmem>>, %arg2: memref<2000x128xf32, #tpu.memory_space<vmem>>, %arg3: memref<2000x128xf32, #tpu.memory_space<vmem>>, %arg4: memref<2000x128xf32, #tpu.memory_space<vmem>>, %arg5: memref<2000x128xf32, #tpu.memory_space<vmem>>, %arg6: memref<128x128xf32, #tpu.memory_space<vmem>>, %arg7: memref<128x128xf32, #tpu.memory_space<vmem>>, %arg8: memref<1x128xf32, #tpu.memory_space<vmem>>, %arg9: memref<1x128xf32, #tpu.memory_space<vmem>>, %arg10: memref<1x128xf32, #tpu.memory_space<vmem>>, %arg11: memref<2000x128xf32, #tpu.memory_space<vmem>>) attributes {dimension_semantics = [#tpu.dimension_semantics<arbitrary>], iteration_bounds = array<i64: 5>, scalar_prefetch = 0 : i64, scratch_operands = 0 : i64, tpu.core_type = #tpu.core_type<tc>, window_params = [{transform_indices = @transform_0, window_bounds = array<i64: 2000, 128>}, {transform_indices = @transform_1, window_bounds = array<i64: 2000, 128>}, {transform_indices = @transform_2, window_bounds = array<i64: 2000, 128>}, {transform_indices = @transform_3, window_bounds = array<i64: 2000, 128>}, {transform_indices = @transform_4, window_bounds = array<i64: 2000, 128>}, {pipeline_mode = #tpu.pipeline_mode<synchronous>, transform_indices = @transform_5, window_bounds = array<i64: 128, 128>}, {pipeline_mode = #tpu.pipeline_mode<synchronous>, transform_indices = @transform_6, window_bounds = array<i64: 128, 128>}, {pipeline_mode = #tpu.pipeline_mode<synchronous>, transform_indices = @transform_7, window_bounds = array<i64: 1, 128>}, {pipeline_mode = #tpu.pipeline_mode<synchronous>, transform_indices = @transform_8, window_bounds = array<i64: 1, 128>}, {pipeline_mode = #tpu.pipeline_mode<synchronous>, transform_indices = @transform_9, window_bounds = array<i64: 1, 128>}, {transform_indices = @transform_10, window_bounds = array<i64: 2000, 128>}]} {
    %get3A = arith.constant 0 : index
    %get3A_0 = arith.constant 0 : index
    %get3A_1 = vector.load %arg1[%get3A, %get3A_0] : memref<2000x128xf32, #tpu.memory_space<vmem>>, vector<2000x128xf32>
    %get3A_2 = arith.constant 0 : index
    %get3A_3 = arith.constant 0 : index
    %get3A_4 = vector.load %arg2[%get3A_2, %get3A_3] : memref<2000x128xf32, #tpu.memory_space<vmem>>, vector<2000x128xf32>
    %get3A_5 = arith.constant 0 : index
    %get3A_6 = arith.constant 0 : index
    %get3A_7 = vector.load %arg3[%get3A_5, %get3A_6] : memref<2000x128xf32, #tpu.memory_space<vmem>>, vector<2000x128xf32>
    %add3A = arith.addf %get3A_4, %get3A_7 : vector<2000x128xf32>
    %get3A_8 = arith.constant 0 : index
    %get3A_9 = arith.constant 0 : index
    %get3A_10 = vector.load %arg4[%get3A_8, %get3A_9] : memref<2000x128xf32, #tpu.memory_space<vmem>>, vector<2000x128xf32>
    %slice3A = vector.extract_strided_slice %get3A_10 {offsets = [0, 0], sizes = [2000, 1], strides = [1, 1]} : vector<2000x128xf32> to vector<2000x1xf32>
    %get3A_11 = arith.constant 0 : index
    %get3A_12 = arith.constant 0 : index
    %get3A_13 = vector.load %arg5[%get3A_11, %get3A_12] : memref<2000x128xf32, #tpu.memory_space<vmem>>, vector<2000x128xf32>
    %slice3A_14 = vector.extract_strided_slice %get3A_13 {offsets = [0, 0], sizes = [2000, 1], strides = [1, 1]} : vector<2000x128xf32> to vector<2000x1xf32>
    %add3A_15 = arith.addf %slice3A, %slice3A_14 : vector<2000x1xf32>
    %max3A = arith.constant 1.000000e+00 : f32
    %max3A_16 = vector.broadcast %max3A : f32 to vector<2000x1xf32>
    %max3A_17 = arith.maximumf %add3A_15, %max3A_16 : vector<2000x1xf32>
    %div3A = vector.broadcast %max3A_17 : vector<2000x1xf32> to vector<2000x128xf32>
    %div3A_18 = arith.divf %add3A, %div3A : vector<2000x128xf32>
    %get3A_19 = arith.constant 0 : index
    %get3A_20 = arith.constant 0 : index
    %get3A_21 = vector.load %arg6[%get3A_19, %get3A_20] : memref<128x128xf32, #tpu.memory_space<vmem>>, vector<128x128xf32>
    %dot_general3A = arith.constant dense<0.000000e+00> : vector<2000x128xf32>
    %dot_general3A_22 = tpu.matmul %div3A_18, %get3A_21, %dot_general3A {dimension_numbers = #tpu.dot_dimension_numbers<[1], [1], [0], [0], [0, 0, 1, 0], [], []>, transpose_lhs_hint = false} : vector<2000x128xf32>, vector<128x128xf32>, vector<2000x128xf32> -> vector<2000x128xf32>
    %get3A_23 = arith.constant 0 : index
    %get3A_24 = arith.constant 0 : index
    %get3A_25 = vector.load %arg7[%get3A_23, %get3A_24] : memref<128x128xf32, #tpu.memory_space<vmem>>, vector<128x128xf32>
    %dot_general3A_26 = arith.constant dense<0.000000e+00> : vector<2000x128xf32>
    %dot_general3A_27 = tpu.matmul %get3A_1, %get3A_25, %dot_general3A_26 {dimension_numbers = #tpu.dot_dimension_numbers<[1], [1], [0], [0], [0, 0, 1, 0], [], []>, transpose_lhs_hint = false} : vector<2000x128xf32>, vector<128x128xf32>, vector<2000x128xf32> -> vector<2000x128xf32>
    %add3A_28 = arith.addf %dot_general3A_22, %dot_general3A_27 : vector<2000x128xf32>
    %get3A_29 = arith.constant 0 : index
    %get3A_30 = arith.constant 0 : index
    %get3A_31 = vector.load %arg8[%get3A_29, %get3A_30] : memref<1x128xf32, #tpu.memory_space<vmem>>, vector<1x128xf32>
    %add3A_32 = vector.broadcast %get3A_31 : vector<1x128xf32> to vector<2000x128xf32>
    %add3A_33 = arith.addf %add3A_28, %add3A_32 : vector<2000x128xf32>
    %mul3A = arith.constant 5.000000e-01 : f32
    %mul3A_34 = vector.broadcast %mul3A : f32 to vector<2000x128xf32>
    %mul3A_35 = arith.mulf %mul3A_34, %add3A_33 : vector<2000x128xf32>
    %mul3A_36 = arith.constant 0.707106769 : f32
    %mul3A_37 = vector.broadcast %mul3A_36 : f32 to vector<2000x128xf32>
    %mul3A_38 = arith.mulf %add3A_33, %mul3A_37 : vector<2000x128xf32>
    %erf3A = math.erf %mul3A_38 : vector<2000x128xf32>
    %add3A_39 = arith.constant 1.000000e+00 : f32
    %add3A_40 = vector.broadcast %add3A_39 : f32 to vector<2000x128xf32>
    %add3A_41 = arith.addf %add3A_40, %erf3A : vector<2000x128xf32>
    %mul3A_42 = arith.mulf %mul3A_35, %add3A_41 : vector<2000x128xf32>
    %reduce_sum3A = arith.constant dense<0.000000e+00> : vector<2000xf32>
    %reduce_sum3A_43 = vector.multi_reduction <add>, %mul3A_42, %reduce_sum3A [1] : vector<2000x128xf32> to vector<2000xf32>
    %broadcast_in_dim3A = vector.shape_cast %reduce_sum3A_43 : vector<2000xf32> to vector<2000x1xf32>
    %div3A_44 = arith.constant 1.280000e+02 : f32
    %div3A_45 = vector.broadcast %div3A_44 : f32 to vector<2000x1xf32>
    %div3A_46 = arith.divf %broadcast_in_dim3A, %div3A_45 : vector<2000x1xf32>
    %sub3A = vector.broadcast %div3A_46 : vector<2000x1xf32> to vector<2000x128xf32>
    %sub3A_47 = arith.subf %mul3A_42, %sub3A : vector<2000x128xf32>
    %mul3A_48 = arith.mulf %sub3A_47, %sub3A_47 : vector<2000x128xf32>
    %reduce_sum3A_49 = arith.constant dense<0.000000e+00> : vector<2000xf32>
    %reduce_sum3A_50 = vector.multi_reduction <add>, %mul3A_48, %reduce_sum3A_49 [1] : vector<2000x128xf32> to vector<2000xf32>
    %broadcast_in_dim3A_51 = vector.shape_cast %reduce_sum3A_50 : vector<2000xf32> to vector<2000x1xf32>
    %div3A_52 = arith.constant 1.280000e+02 : f32
    %div3A_53 = vector.broadcast %div3A_52 : f32 to vector<2000x1xf32>
    %div3A_54 = arith.divf %broadcast_in_dim3A_51, %div3A_53 : vector<2000x1xf32>
    %add3A_55 = arith.constant 9.99999974E-6 : f32
    %add3A_56 = vector.broadcast %add3A_55 : f32 to vector<2000x1xf32>
    %add3A_57 = arith.addf %div3A_54, %add3A_56 : vector<2000x1xf32>
    %rsqrt3A = math.rsqrt %add3A_57 : vector<2000x1xf32>
    %mul3A_58 = vector.broadcast %rsqrt3A : vector<2000x1xf32> to vector<2000x128xf32>
    %mul3A_59 = arith.mulf %sub3A_47, %mul3A_58 : vector<2000x128xf32>
    %get3A_60 = arith.constant 0 : index
    %get3A_61 = arith.constant 0 : index
    %get3A_62 = vector.load %arg9[%get3A_60, %get3A_61] : memref<1x128xf32, #tpu.memory_space<vmem>>, vector<1x128xf32>
    %mul3A_63 = vector.broadcast %get3A_62 : vector<1x128xf32> to vector<2000x128xf32>
    %mul3A_64 = arith.mulf %mul3A_59, %mul3A_63 : vector<2000x128xf32>
    %get3A_65 = arith.constant 0 : index
    %get3A_66 = arith.constant 0 : index
    %get3A_67 = vector.load %arg10[%get3A_65, %get3A_66] : memref<1x128xf32, #tpu.memory_space<vmem>>, vector<1x128xf32>
    %add3A_68 = vector.broadcast %get3A_67 : vector<1x128xf32> to vector<2000x128xf32>
    %add3A_69 = arith.addf %mul3A_64, %add3A_68 : vector<2000x128xf32>
    %add3A_70 = arith.addf %add3A_69, %get3A_1 : vector<2000x128xf32>
    %swap3A = arith.constant 0 : index
    %swap3A_71 = arith.constant 0 : index
    %swap3A_72 = vector.load %arg11[%swap3A, %swap3A_71] : memref<2000x128xf32, #tpu.memory_space<vmem>>, vector<2000x128xf32>
    tpu.vector_store %arg11[%swap3A, %swap3A_71], %add3A_70 {strides = array<i32>} : memref<2000x128xf32, #tpu.memory_space<vmem>>, vector<2000x128xf32>,
    return
  }
  func.func @transform_0(%arg0: i32) -> (i32, i32) {
    %c0_i32 = arith.constant 0 : i32
    %c0_i32_0 = arith.constant 0 : i32
    return %arg0, %c0_i32 : i32, i32
  }
  func.func @transform_1(%arg0: i32) -> (i32, i32) {
    %c0_i32 = arith.constant 0 : i32
    %c0_i32_0 = arith.constant 0 : i32
    return %arg0, %c0_i32 : i32, i32
  }
  func.func @transform_2(%arg0: i32) -> (i32, i32) {
    %add3A = arith.constant 5 : i32
    %add3A_0 = arith.addi %arg0, %add3A : i32
    %c0_i32 = arith.constant 0 : i32
    %c0_i32_1 = arith.constant 0 : i32
    return %add3A_0, %c0_i32 : i32, i32
  }
  func.func @transform_3(%arg0: i32) -> (i32, i32) {
    %c0_i32 = arith.constant 0 : i32
    %c0_i32_0 = arith.constant 0 : i32
    return %arg0, %c0_i32 : i32, i32
  }
  func.func @transform_4(%arg0: i32) -> (i32, i32) {
    %add3A = arith.constant 5 : i32
    %add3A_0 = arith.addi %arg0, %add3A : i32
    %c0_i32 = arith.constant 0 : i32
    %c0_i32_1 = arith.constant 0 : i32
    return %add3A_0, %c0_i32 : i32, i32
  }
  func.func @transform_5(%arg0: i32) -> (i32, i32) {
    %c0_i32 = arith.constant 0 : i32
    %c0_i32_0 = arith.constant 0 : i32
    %c0_i32_1 = arith.constant 0 : i32
    return %c0_i32, %c0_i32_0 : i32, i32
  }
  func.func @transform_6(%arg0: i32) -> (i32, i32) {
    %c0_i32 = arith.constant 0 : i32
    %c0_i32_0 = arith.constant 0 : i32
    %c0_i32_1 = arith.constant 0 : i32
    return %c0_i32, %c0_i32_0 : i32, i32
  }
  func.func @transform_7(%arg0: i32) -> (i32, i32) {
    %c0_i32 = arith.constant 0 : i32
    %c0_i32_0 = arith.constant 0 : i32
    %c0_i32_1 = arith.constant 0 : i32
    return %c0_i32, %c0_i32_0 : i32, i32
  }
  func.func @transform_8(%arg0: i32) -> (i32, i32) {
    %c0_i32 = arith.constant 0 : i32
    %c0_i32_0 = arith.constant 0 : i32
    %c0_i32_1 = arith.constant 0 : i32
    return %c0_i32, %c0_i32_0 : i32, i32
  }
  func.func @transform_9(%arg0: i32) -> (i32, i32) {
    %c0_i32 = arith.constant 0 : i32
    %c0_i32_0 = arith.constant 0 : i32
    %c0_i32_1 = arith.constant 0 : i32
    return %c0_i32, %c0_i32_0 : i32, i32
  }
  func.func @transform_10(%arg0: i32) -> (i32, i32) {
    %c0_i32 = arith.constant 0 : i32
    %c0_i32_0 = arith.constant 0 : i32
    return %arg0, %c0_i32 : i32, i32
  }
}

</mosaic_0001>

<sc_bundles>
// kernel: kernel.5.cloned.1.call-start
scs
__scs_entry_jumppad:
0x0: {  	(pc) =	sbr.rel $0x88, $3  }
0x1: {  	(tag) =	ssettag $0x0;
	lr =	simm.s32 $0x1  }
0x2: {  	[smem:$0x3F9A] =	sst lr;
	_ =	strace $0xD0000000  }
0x3: {  	_ = 	snop  }
0x4: {  	_ = 	snop  }
0x5: {  	_ = 	snop  }
0x6: {  	_ = 	snop  }
0x7: {  	_ = 	snop  }
__scs_overlays_trampoline_lowered:
0x8: {  	[smem:$0x3FA9] =	sst s0  }
0x9: {  	[smem:$0x3FAA] =	sst s1  }
0xa: {  	[smem:$0x3FAB] =	sst s2  }
0xb: {  	[smem:$0x3FAC] =	sst s3  }
0xc: {  	[smem:$0x3FAD] =	sst s4  }
0xd: {  	[smem:$0x3FAE] =	sst s5  }
0xe: {  	[smem:$0x3FAF] =	sst s6  }
0xf: {  	[smem:$0x3FB0] =	sst s7  }
0x10: {  	[smem:$0x3FB1] =	sst s8  }
0x11: {  	[smem:$0x3FB2] =	sst s9;
	s0 =	simm.s32 @!p0 $0x0  }
0x12: {  	s1 =	sld [smem:$0x3F98];
	s0 =	simm.s32 @p0 $0x1  }
0x13: {  	[smem:$0x3FB3] =	sst s0;
	s0 =	simm.s32 @!p1 $0x0  }
0x14: {  	s2 =	sld [smem:$0x3F97];
	s0 =	simm.s32 @p1 $0x1  }
0x15: {  	[smem:$0x3FB4] =	sst s0;
	s0 =	simm.s32 @!p2 $0x0  }
0x16: {  	s3 =	sld [smem:$0x3FDB];
	s0 =	simm.s32 @p2 $0x1  }
0x17: {  	s4 =	simm.s32 $0x1BF5;
	[smem:$0x3FB6] =	sst s0  }
0x18: {  	s0 =	sld [smem:$0x3F99];
	_ =	swait.ge [sflag:s4], $0x0  }
0x19: {  	s7 =	sld [smem:$0x3F9A]  }
0x1a: {  	s8 =	sadd.s32 $0xFFFFE003, lr  }
0x1b: {  	s9 =	sadd.s32 $0xFFFFFEF7, lr;
	s5 =	simm.s32 $0xFFFFFFFF;
	p2 =	slt.u32 s8, $0xFFFFF086  }
0x1c: {  	p1 =	slt.u32 s9, $0xF7A;
	s5 =	simm.s32 @!p2 $0x0  }
0x1d: {  	s5 =	simm.s32 @p1 $0x1;
	p0 =	seq.s32 s7, s2  }
0x1e: {  	s7 =	smul.u32 @!p0 $0xF7A, s2;
	p2 =	seq.s32 @!p0 s5, $0x0  }
0x1f: {  	s9 =	smul.u32 $0xF7A, s1;
	s8 =	simm.s32 @!p0 $0x1BF5;
	p2 =	por !p2, p0  }
0x20: {  	[sflag:s8] =	ssyncset.s32 @!p0 $0xFFFFF086;
	s6 =	sadd.s32 @!p0 s3, s7;
	s7 =	simm.s32 @!p0 $0x108  }
0x21: {  	s3 =	sadd.s32 s3, s9;
	s6 =	sadd.s32 @!p0 $0x88, s6;
	s7 =	simm.s32 @p2 $0x1082  }
0x22: {  	[simem:s7], [sflag:s8] =	dma.local @!p0 [hbm:s6], $0xF7A  }
0x23: {  	s9 =	sor.u32 $0xD0000000, s2;
	s6 =	simm.s32 $0x108;
	_ =	swait.ge @!p0 [sflag:s8], $0x0  }
0x24: {  	s3 =	sadd.s32 $0x88, s3;
	s6 =	simm.s32 @!p1 $0x1082;
	[sflag:s4] =	ssyncset.s32 $0xFFFFF086  }
0x25: {  	[simem:s6], [sflag:s4] =	dma.local [hbm:s3], $0xF7A  }
0x26: {  	[smem:$0x3F9A] =	sst s1;
	(tag) =	ssettag s2;
	_ =	strace s9  }
0x27: {  	s1 =	sld [smem:$0x3FAA]  }
0x28: {  	s2 =	sld [smem:$0x3FAB]  }
0x29: {  	s4 =	sld [smem:$0x3FAD]  }
0x2a: {  	p0 =	seq.s32 s5, $0x0;
	s5 =	sld [smem:$0x3FAE]  }
0x2b: {  	s6 =	sld [smem:$0x3FAF]  }
0x2c: {  	s7 =	sld [smem:$0x3FB0]  }
0x2d: {  	s3 =	simm.s32 $0x108;
	s8 =	sld [smem:$0x3FB1]  }
0x2e: {  	s3 =	simm.s32 @!p0 $0x1082;
	s9 =	sld [smem:$0x3FB2]  }
0x2f: {  	lr =	sadd.s32 s0, s3;
	s0 =	sld [smem:$0x3FA9]  }
0x30: {  	s3 =	sld [smem:$0x3FAC]  }
0x31: {  	[smem:$0x3FB5] =	sst s10  }
0x32: {  	s10 =	sld [smem:$0x3FB3];
	_ =	sdelay $0x3  }
0x33: {  	p0 =	seq.s32 s10, $0x1;
	s10 =	sld [smem:$0x3FB5];
	_ =	sdelay $0x3  }
0x34: {  	[smem:$0x3FB5] =	sst s10  }
0x35: {  	s10 =	sld [smem:$0x3FB4];
	_ =	sdelay $0x3  }
0x36: {  	p1 =	seq.s32 s10, $0x1;
	s10 =	sld [smem:$0x3FB5];
	_ =	sdelay $0x3  }
0x37: {  	[smem:$0x3FB5] =	sst s10  }
0x38: {  	s10 =	sld [smem:$0x3FB6]  }
0x39: {  	_ = 	snop;
	(pc) =	sbr.ind lr, $3  }
0x3a: {  	_ = 	snop  }
0x3b: {  	_ = 	snop  }
0x3c: {  	p2 =	seq.s32 s10, $0x1;
	s10 =	sld [smem:$0x3FB5]  }
0x3d: {  	_ =	shalt  }
0x3e: {  	_ =	shalt  }
0x3f: {  	_ =	shalt  }
0x40: {  	_ =	shalt  }
0x41: {  	_ =	shalt  }
0x42: {  	_ =	shalt  }
0x43: {  	_ =	shalt  }
0x44: {  	_ =	shalt  }
0x45: {  	_ =	shalt  }
0x46: {  	_ =	shalt  }
0x47: {  	_ =	shalt  }
0x48: {  	_ =	shalt  }
0x49: {  	_ =	shalt  }
0x4a: {  	_ =	shalt  }
0x4b: {  	_ =	shalt  }
0x4c: {  	_ =	shalt  }
0x4d: {  	_ =	shalt  }
0x4e: {  	_ =	shalt  }
0x4f: {  	_ =	shalt  }
0x50: {  	_ =	shalt  }
0x51: {  	_ =	shalt  }
0x52: {  	_ =	shalt  }
0x53: {  	_ =	shalt  }
0x54: {  	_ =	shalt  }
0x55: {  	_ =	shalt  }
0x56: {  	_ =	shalt  }
0x57: {  	_ =	shalt  }
0x58: {  	_ =	shalt  }
0x59: {  	_ =	shalt  }
0x5a: {  	_ =	shalt  }
0x5b: {  	_ =	shalt  }
0x5c: {  	_ =	shalt  }
0x5d: {  	_ =	shalt  }
0x5e: {  	_ =	shalt  }
0x5f: {  	_ =	shalt  }
0x60: {  	_ =	shalt  }
0x61: {  	_ =	shalt  }
0x62: {  	_ =	shalt  }
0x63: {  	_ =	shalt  }
0x64: {  	_ =	shalt  }
0x65: {  	_ =	shalt  }
0x66: {  	_ =	shalt  }
0x67: {  	_ =	shalt  }
0x68: {  	_ =	shalt  }
0x69: {  	_ =	shalt  }
0x6a: {  	_ =	shalt  }
0x6b: {  	_ =	shalt  }
0x6c: {  	_ =	shalt  }
0x6d: {  	_ =	shalt  }
0x6e: {  	_ =	shalt  }
0x6f: {  	_ =	shalt  }
0x70: {  	_ =	shalt  }
0x71: {  	_ =	shalt  }
0x72: {  	_ =	shalt  }
0x73: {  	_ =	shalt  }
0x74: {  	_ =	shalt  }
0x75: {  	_ =	shalt  }
0x76: {  	_ =	shalt  }
0x77: {  	_ =	shalt  }
0x78: {  	_ =	shalt  }
0x79: {  	_ =	shalt  }
0x7a: {  	_ =	shalt  }
0x7b: {  	_ =	shalt  }
0x7c: {  	_ =	shalt  }
0x7d: {  	_ =	shalt  }
0x7e: {  	_ =	shalt  }
0x7f: {  	_ =	shalt  }
0x80: {  	_ =	shalt  }
0x81: {  	_ =	shalt  }
0x82: {  	_ =	shalt  }
0x83: {  	_ =	shalt  }
0x84: {  	_ =	shalt  }
0x85: {  	_ =	shalt  }
0x86: {  	_ =	shalt  }
0x87: {  	_ =	shalt  }
.Lfunc_end0:
.L_simem_size_0:
called_computation_lowered:
.L_overlay_start_0:
0x88: {  	s2 =	sld [smem:$0x3FD9]  }
0x89: {  	s3 =	sld [smem:$0x3FFE];
	_ =	sdelay $0x1  }
0x8a: {  	s1 =	srdreg.scid  }
0x8b: {  	s0 =	sand.u32 $0x1, s1  }
0x8c: {  	s17 =	sshll.u32 s0, $0xA;
	s2 =	sadd.s32 s3, s2  }
0x8d: {  	s2 =	sadd.s32 s2, s17  }
0x8e: {  	[smem:$0x3FC1] =	sst s2  }
0x8f: {  	_ = 	snop  }
0x90: {  	s2 =	sld [smem:$0x3FC9]  }
0x91: {  	s18 =	sld [smem:$0x3FD0];
	(tm) =	ssettm $0x1  }
0x92: {  	s4 =	sld [smem:$0x3FFB];
	_ =	sdelay $0x3  }
0x93: {  	_ =	strace s4  }
0x94: {  	s4 =	sld [smem:$0x3FFC];
	_ =	sdelay $0x3  }
0x95: {  	_ =	strace s4  }
0x96: {  	s4 =	sld [smem:$0x3FFD];
	_ =	sdelay $0x3  }
0x97: {  	_ =	strace s4  }
0x98: {  	_ =	strace $0x8FFFFFFF  }
0x99: {  	s19 =	sld [smem:$0x3FDB];
	_ =	sdelay $0x1  }
0x9a: {  	s5 =	simm.s32 $_scs_section_size  }
0x9b: {  	s6 =	simm.s32 $_size__tile_overlayer_lowered;
	s7 =	simm.s32 $_tile_overlayer_lowered  }
0x9c: {  	s22 =	simm.s32 $0x1BFF;
	s21 =	sshll.u32 s7, $0x1;
	s4 =	sadd.s32 s5, s19  }
0x9d: {  	s8 =	simm.s32 $0x0;
	s20 =	sshll.u32 s6, $0x1;
	s6 =	sadd.s32 s21, s4  }
0x9e: {  	[timem:s8], [sflag:s22] =	dma.local [hbm:s6], s20  }
0x9f: {  	_ =	swait.ge [sflag:s22], s20  }
0xa0: {  	s5 =	ssub.s32 $0x0, s20;
	[sflag:s22] =	ssyncset.done $0x0  }
0xa1: {  	[sflag:s22] =	ssyncadd.s32 s5;
	_ =	sdelay $0x1  }
0xa2: {  	s23 =	simm.s32 $0x1B8B  }
0xa3: {  	_ =	swait.ge [sflag:s23], $0x1  }
0xa4: {  	[sflag:s23] =	ssyncset.done $0x0  }
0xa5: {  	s25 =	simm.s32 $0x1B8E;
	s24 =	sld [smem:$0x3FFE];
	[sflag:s23] =	ssyncadd.s32 $0xFFFFFFFF  }
0xa6: {  	s26 =	simm.s32 $execute0_lowered;
	[smem:$0x3FD2] =	sst s25  }
0xa7: {  	s6 =	sshll.u32 s26, $0x1;
	_ =	strace $0x80000046;
	[dreg:$0x1] =	wrdreg $0xFFFFFFFF  }
0xa8: {  	s28 =	simm.s32 $_size_execute0_lowered;
	s4 =	sadd.s32 s4, s6;
	[dreg:$0x0] =	wrdreg $0x0  }
0xa9: {  	s6 =	sshll.u32 s28, $0x1;
	[dreg:$0x2] =	wrdreg s4  }
0xaa: {  	[dreg:$0x3] =	wrdreg s6  }
0xab: {  	[dreg:$0x4] =	wrdreg $0xC0  }
0xac: {  	_ =	task [dreg:s8], $0x5FFFF  }
0xad: {  	[dreg:$0x1] =	wrdreg $0xFFFFFFFF  }
0xae: {  	[dreg:$0x0] =	wrdreg $0x60  }
0xaf: {  	[dreg:$0x2] =	wrdreg s2  }
0xb0: {  	[dreg:$0x3] =	wrdreg s18  }
0xb1: {  	[dreg:$0x4] =	wrdreg s24  }
0xb2: {  	[dreg:$0x5] =	wrdreg $0x82000  }
0xb3: {  	[dreg:$0x6] =	wrdreg $0x9  }
0xb4: {  	_ =	task.clear_ibuf [dreg:s8], $0x7FFFF;
	_ =	strace $0x90000046  }
0xb5: {  	s29 =	simm.s32 $0x9;
	_ =	strace $0x80000048  }
0xb6: {  	_ =	swait.ge [sflag:s29], $0x1  }
0xb7: {  	[sflag:s29] =	ssyncadd.s32 $0xFFFFFFFF  }
0xb8: {  	_ =	strace $0x90000048  }
0xb9: {  	_ =	sfence  }
0xba: {  	s30 =	sld [smem:$0x0];
	_ =	sdelay $0x2  }
0xbb: {  	s31 =	sshll.u32 s1, $0xD;
	s1 =	sshrl.u32 s1, $0x2  }
0xbc: {  	s3 =	sand.u32 $0x4000, s31;
	s1 =	sadd.s32 s1, s30  }
0xbd: {  	s0 =	sor.u32 s3, s0;
	s1 =	sshll.u32 s1, $0x11  }
0xbe: {  	s0 =	sor.u32 s1, s0  }
0xbf: {  	s0 =	sadd.s32 $0x8F2B, s0  }
0xc0: {  	[sflag:s0] =	ssyncadd.remote.s32 $0x1  }
0xc1: {  	_ =	sfence.sel $0xFFFF  }
0xc2: {  	[dreg:$0x0] =	wrdreg $0xFFFFFFFF;
	(pc) =	sbr.abs _section_cstart, $3  }
0xc3: {  	[dreg:$0x1] =	wrdreg $0xFFFFFFFF  }
0xc4: {  	_ =	task.clear_ibuf [dreg:s8], $0x2FFFF;
	_ =	strace $0x9FFFFFFF  }
0xc5: {  	(tm) =	ssettm $0x7FFFFFFF  }
tec
execute0_lowered:
.L_overlay_start_1:
0x0: {  	(tag) =	ssettag $0x1  }
0x1: {  	s1 =	rddreg [dreg:$0x0]  }
0x2: {  	s0 =	rddreg [dreg:$0x1];
	s10 =	stileid.u32  }
0x3: {  	s3 =	rddreg [dreg:$0x2];
	s20 =	smul.u32 $0x4E000, s10  }
0x4: {  	s2 =	rddreg [dreg:$0x3];
	s11 =	smul.u32 $0x2700, s10  }
0x5: {  	s5 =	srdreg.scid;
	s18 =	smul.u32 $0x4E, s10  }
0x6: {  	s4 =	simm.s32 $0x0;
	s15 =	sand.u32 $0x1, s5;
	s31 =	smul.u32 $0x4E0, s10  }
0x7: {  	s28 =	simm.s32 $0x1;
	s29 =	simm.s32 $0x2;
	s12 =	smul.u32 $0x138800, s15  }
0x8: {  	s30 =	simm.s32 $0x0;
	[smem:$0x7FF] =	sst s4;
	s14 =	smul.u32 $0x27100, s15  }
0x9: {  	s3 =	sadd.s32 $0xB800, s3;
	_ =	strace $0x80000047;
	s16 =	smul.u32 $0x4E0, s15  }
0xa: {  	s6 =	ssub.s32 $0x2, s15;
	s7 =	sshll.u32 s15, $0x4;
	s26 =	smul.u32 $0x4E00, s15  }
0xb: {  	s8 =	sshrl.u32 s6, $0x1;
	s25 =	sor.u32 s10, s7;
	s5 =	sshrl.u32 s20, $0x2  }
0xc: {  	s7 =	sadd.s32 $0x138000, s2;
	s20 =	simm.s32 $0x200;
	s13 =	ssub.s32 s6, s8  }
0xd: {  	s5 =	sadd.s32 s5, s2;
	s21 =	smul.u32 $0x4E, s25;
	s17 =	smin.u32 s25, $0x4  }
0xe: {  	p0 =	slt.u32 s25, $0x4;
	s8 =	simm.s32 $0x4F;
	s12 =	sshrl.u32 s12, $0x3  }
0xf: {  	s11 =	sadd.s32 s11, s14;
	s16 =	sadd.s32 s18, s16;
	p1 =	sgt.u32 s25, $0x3  }
0x10: {  	s25 =	simm.s32 $0x180;
	s22 =	sadd.s32 $0x10000, s5;
	s8 =	simm.s32 @!p0 $0x4E  }
0x11: {  	s12 =	sadd.s32 s3, s12;
	s3 =	sadd.s32 s3, s11;
	s13 =	smax.u32 s13, $0x1  }
0x12: {  	s14 =	sadd.s32 $0x4000, s5;
	s15 =	sadd.s32 $0x8000, s5;
	s19 =	sadd.s32 s17, s16  }
0x13: {  	s16 =	sadd.s32 $0xC000, s5;
	p0 =	sne.s32 s10, $0xF;
	[dreg:$0x5] =	wrdreg s22  }
0x14: {  	s9 =	sadd.s32 s17, s21;
	[dreg:$0x7] =	wrdreg s3;
	s24 =	sadd.s32 $0x27000, s12  }
0x15: {  	s3 =	sadd.s32 s26, s0;
	s19 =	sshll.u32 s19, $0x4;
	s17 =	sshll.u32 s17, $0x4  }
0x16: {  	s21 =	simm.s32 $0x3;
	s22 =	simm.s32 $0x100;
	s26 =	simm.s32 $0x4200  }
0x17: {  	s9 =	sshll.u32 s9, $0x4;
	[dreg:$0x8] =	wrdreg s24;
	s3 =	sadd.s32 s31, s3  }
0x18: {  	s24 =	simm.s32 $0x4;
	s9 =	sadd.s32 s0, s9;
	s0 =	sadd.s32 s19, s0  }
0x19: {  	s17 =	sadd.s32 s17, s3;
	s23 =	sadd.s32 $0x9C40, s9;
	s18 =	sadd.s32 $0x10, s0  }
0x1a: {  	v0 =	vimm.f32 $0.0e+00;
	s19 =	sadd.s32 $0x20, s0;
	[dreg:$0x6] =	wrdreg s23;
	s23 =	simm.s32 $0x80  }
.LBB2_1:
0x1b: {  	s0 =	simm.s32 $0x0;
	s3 =	simm.s32 $0x200  }
.LBB2_2:
0x1c: {  	p2 =	sne.s32 s3, $0xFE00;
	[tilespmem:s0+$0x270] =	vst v0  }
0x1d: {  	[tilespmem:s0+$0x200] =	vst v0  }
0x1e: {  	[tilespmem:s0+$0x210] =	vst v0  }
.Ltmp0:
0x1f: {  	[tilespmem:s0+$0x220] =	vst v0;
	(pc) =	sbr.rel @p2 .LBB2_2-.Ltmp0, $4  }
0x20: {  	[tilespmem:s0+$0x230] =	vst v0  }
0x21: {  	[tilespmem:s0+$0x240] =	vst v0  }
0x22: {  	[tilespmem:s0+$0x250] =	vst v0  }
0x23: {  	[tilespmem:s0+$0x260] =	vst v0;
	s0 =	sshra.s32 s3, $0x2;
	s3 =	sadd.s32 $0x200, s3  }
0x24: {  	[tilespmem:s0+$0x270] =	vst v0  }
0x25: {  	[tilespmem:s0+$0x200] =	vst v0  }
0x26: {  	[tilespmem:s0+$0x210] =	vst v0  }
0x27: {  	[tilespmem:s0+$0x220] =	vst v0  }
0x28: {  	[tilespmem:s0+$0x230] =	vst v0  }
0x29: {  	[tilespmem:s0+$0x240] =	vst v0  }
0x2a: {  	[tilespmem:s0+$0x250] =	vst v0  }
0x2b: {  	[tilespmem:s0+$0x260] =	vst v0  }
0x2c: {  	[spmem:s5] =	stream.linear.scatter [tilespmem:s20], [sflag:$0x3], $0x4000, $0x38;
	[tilespmem:$0x1BA80] =	vst v63  }
0x2d: {  	_ =	swait.ge [sflag:s21], $0x4000  }
0x2e: {  	[sflag:s21] =	ssyncset.done $0x0  }
0x2f: {  	[sflag:s21] =	ssyncadd.s32 $0xFFFFC000  }
0x30: {  	[spmem:s14] =	stream.linear.scatter [tilespmem:s20], [sflag:$0x3], $0x4000, $0x38;
	[tilespmem:$0x1BA80] =	vst v63  }
0x31: {  	_ =	swait.ge [sflag:s21], $0x4000  }
0x32: {  	[sflag:s21] =	ssyncset.done $0x0  }
0x33: {  	[sflag:s21] =	ssyncadd.s32 $0xFFFFC000  }
0x34: {  	[spmem:s15] =	stream.linear.scatter [tilespmem:s20], [sflag:$0x3], $0x4000, $0x38;
	[tilespmem:$0x1BA80] =	vst v63  }
0x35: {  	_ =	swait.ge [sflag:s21], $0x4000  }
0x36: {  	[sflag:s21] =	ssyncset.done $0x0  }
0x37: {  	[sflag:s21] =	ssyncadd.s32 $0xFFFFC000  }
0x38: {  	[spmem:s16] =	stream.linear.scatter [tilespmem:s20], [sflag:$0x3], $0x4000, $0x38;
	[tilespmem:$0x1BA80] =	vst v63  }
0x39: {  	_ =	swait.ge [sflag:s21], $0x4000  }
0x3a: {  	[sflag:s21] =	ssyncset.done $0x0  }
0x3b: {  	s6 =	rddreg [dreg:$0x5];
	[sflag:s21] =	ssyncadd.s32 $0xFFFFC000  }
0x3c: {  	[spmem:s6] =	stream.linear.scatter [tilespmem:s20], [sflag:$0x3], $0x3800, $0x38;
	[tilespmem:$0x1BA80] =	vst v63  }
0x3d: {  	_ =	swait.ge [sflag:s21], $0x3800  }
0x3e: {  	[sflag:s21] =	ssyncset.done $0x0  }
0x3f: {  	s0 =	simm.s32 @!p0 $0x200;
	[sflag:s21] =	ssyncadd.s32 $0xFFFFC800  }
0x40: {  	[spmem:s7] =	stream.linear.scatter @!p0 [tilespmem:s0], [sflag:$0x3], $0x800, $0x38;
	[tilespmem:$0x1BA80] =	vst v63  }
0x41: {  	s0 =	simm.s32 @!p0 $0x3  }
0x42: {  	_ =	swait.ge @!p0 [sflag:s0], $0x800  }
0x43: {  	[sflag:s0] =	ssyncset.done @!p0 $0x0  }
0x44: {  	[sflag:s0] =	ssyncadd.s32 @!p0 $0xFFFFF800  }
0x45: {  	s10 =	simm.s32 $0x0;
	[bflag:$0x0] =	sbarrier.arrive $0xFFFF  }
0x46: {  	[tilespmem:s10], [sflag:$0x3] =	stream.linear.gather [hbm4b:s9+s10], $0x80, $0x38;
	[tilespmem:$0x1BA80] =	vst v63  }
0x47: {  	_ =	swait.ge [sflag:s21], $0x80  }
0x48: {  	[sflag:s21] =	ssyncset.done $0x0  }
0x49: {  	s3 =	rddreg [dreg:$0x6];
	[sflag:s21] =	ssyncadd.s32 $0xFFFFFF80  }
0x4a: {  	[tilespmem:s22], [sflag:$0x3] =	stream.linear.gather [hbm4b:s3+s10], $0x80, $0x38;
	[tilespmem:$0x1BA80] =	vst v63  }
0x4b: {  	_ =	swait.ge [sflag:s21], $0x80  }
0x4c: {  	[sflag:s21] =	ssyncset.done $0x0  }
0x4d: {  	[sflag:s21] =	ssyncadd.s32 $0xFFFFFF80  }
0x4e: {  	[tilespmem:s20], [sflag:$0x1] =	stream.indirect.gather [hbm4b:s1+s23], $0x80, s10, s23, $0xb8;
	[tilespmem:$0x1BA80] =	vst v63  }
0x4f: {  	s11 =	sadd.s32 $0x0, s18  }
0x50: {  	[tilespmem:s23], [sflag:$0x4] =	stream.linear.gather [hbm4b:s11+s4], $0x80, $0x38;
	[tilespmem:$0x1BA80] =	vst v63  }
0x51: {  	_ =	swait.ge [sflag:s24], $0x80  }
0x52: {  	s12 =	sadd.s32 $0x0, s17;
	[sflag:s24] =	ssyncset.done $0x0  }
0x53: {  	s0 =	sadd.s32 $0x9C50, s12;
	[sflag:s24] =	ssyncadd.s32 $0xFFFFFF80  }
0x54: {  	[tilespmem:s25], [sflag:$0x4] =	stream.linear.gather [hbm4b:s0+s4], $0x80, $0x38;
	[tilespmem:$0x1BA80] =	vst v63  }
0x55: {  	_ =	swait.ge [sflag:s24], $0x80  }
0x56: {  	[sflag:s24] =	ssyncset.done $0x0  }
0x57: {  	[sflag:s24] =	ssyncadd.s32 $0xFFFFFF80  }
0x58: {  	[tilespmem:s26], [sflag:$0x2] =	stream.indirect.gather [hbm4b:s1+s23], $0x80, s23, s23, $0xb8;
	[tilespmem:$0x1BA80] =	vst v63  }
0x59: {  	_ =	swait.ge [sflag:s28], $0x4000  }
0x5a: {  	[sflag:s28] =	ssyncset.done $0x0  }
0x5b: {  	[sflag:s28] =	ssyncadd.s32 $0xFFFFC000  }
0x5c: {  	[spmem:s2] =	stream.indirect.scatter.add.f32 [tilespmem:s20], [sflag:$0x4], $0x80, s22, s23, $0xb8;
	[tilespmem:$0x1BA80] =	vst v63  }
0x5d: {  	p2 =	sle.u32 s8, $0x2;
	_ =	swait.ge [sflag:s24], $0x4000  }
0x5e: {  	s31 =	simm.s32 @!p2 $0x4;
	[sflag:s24] =	ssyncset.done $0x0  }
0x5f: {  	s3 =	simm.s32 @!p2 $0x0;
	s0 =	sadd.s32 @!p2 $0x0, s19;
	[sflag:s24] =	ssyncadd.s32 $0xFFFFC000  }
0x60: {  	[tilespmem:s3], [sflag:$0x4] =	stream.linear.gather @!p2 [hbm4b:s0+s3], $0x80, $0x38;
	[tilespmem:$0x1BA80] =	vst v63  }
0x61: {  	_ =	swait.ge @!p2 [sflag:s31], $0x80  }
0x62: {  	s0 =	sadd.s32 @!p2 $0x0, s17;
	[sflag:s31] =	ssyncset.done @!p2 $0x0  }
0x63: {  	s6 =	simm.s32 @!p2 $0x100;
	s0 =	sadd.s32 @!p2 $0x9C60, s0;
	[sflag:s31] =	ssyncadd.s32 @!p2 $0xFFFFFF80  }
0x64: {  	[tilespmem:s6], [sflag:$0x4] =	stream.linear.gather @!p2 [hbm4b:s0+s3], $0x80, $0x38;
	[tilespmem:$0x1BA80] =	vst v63  }
0x65: {  	_ =	swait.ge @!p2 [sflag:s31], $0x80  }
0x66: {  	[sflag:s31] =	ssyncset.done @!p2 $0x0  }
0x67: {  	s0 =	simm.s32 @!p2 $0x80;
	s6 =	simm.s32 @!p2 $0x200;
	[sflag:s31] =	ssyncadd.s32 @!p2 $0xFFFFFF80  }
0x68: {  	[tilespmem:s6], [sflag:$0x1] =	stream.indirect.gather @!p2 [hbm4b:s1+s0], $0x80, s3, s0, $0xb8;
	[tilespmem:$0x1BA80] =	vst v63  }
0x69: {  	_ =	swait.ge [sflag:s29], $0x4000  }
0x6a: {  	[sflag:s29] =	ssyncset.done $0x0  }
0x6b: {  	s31 =	simm.s32 $0x20;
	[sflag:s29] =	ssyncadd.s32 $0xFFFFC000  }
0x6c: {  	[spmem:s2] =	stream.indirect.scatter.add.f32 [tilespmem:s26], [sflag:$0x3], $0x80, s25, s23, $0xb8;
	[tilespmem:$0x1BA80] =	vst v63  }
0x6d: {  	s3 =	simm.s32 $0x40;
	s0 =	simm.s32 $0x4;
	_ =	swait.ge [sflag:s21], $0x4000  }
.LBB2_4:
0x6e: {  	s6 =	sadd.s32 s31, s18  }
0x6f: {  	[sflag:s21] =	ssyncset.done $0x0;
	s10 =	smov.u32 s3;
	s3 =	sadd.s32 $0x20, s3  }
0x70: {  	p2 =	sne.s32 s3, $0x4E0;
	[sflag:s21] =	ssyncadd.s32 $0xFFFFC000  }
0x71: {  	[tilespmem:s23], [sflag:$0x4] =	stream.linear.gather [hbm4b:s6+s4], $0x80, $0x38;
	[tilespmem:$0x1BA80] =	vst v63  }
0x72: {  	s6 =	sadd.s32 s31, s17;
	_ =	swait.ge [sflag:s24], $0x80  }
0x73: {  	s6 =	sadd.s32 $0x9C50, s6;
	[sflag:s24] =	ssyncset.done $0x0  }
0x74: {  	[sflag:s24] =	ssyncadd.s32 $0xFFFFFF80  }
0x75: {  	[tilespmem:s25], [sflag:$0x4] =	stream.linear.gather [hbm4b:s6+s4], $0x80, $0x38;
	[tilespmem:$0x1BA80] =	vst v63  }
0x76: {  	_ =	swait.ge [sflag:s24], $0x80  }
0x77: {  	[sflag:s24] =	ssyncset.done $0x0  }
0x78: {  	[sflag:s24] =	ssyncadd.s32 $0xFFFFFF80  }
0x79: {  	[tilespmem:s26], [sflag:$0x2] =	stream.indirect.gather [hbm4b:s1+s23], $0x80, s23, s23, $0xb8;
	[tilespmem:$0x1BA80] =	vst v63  }
0x7a: {  	_ =	swait.ge [sflag:s28], $0x4000  }
0x7b: {  	[sflag:s28] =	ssyncset.done $0x0  }
0x7c: {  	[sflag:s28] =	ssyncadd.s32 $0xFFFFC000  }
0x7d: {  	[spmem:s2] =	stream.indirect.scatter.add.f32 [tilespmem:s20], [sflag:$0x4], $0x80, s22, s23, $0xb8;
	[tilespmem:$0x1BA80] =	vst v63  }
0x7e: {  	p3 =	sge.u32 s0, s8;
	_ =	swait.ge [sflag:s24], $0x4000  }
0x7f: {  	s11 =	simm.s32 @!p3 $0x0;
	s6 =	sadd.s32 @!p3 s31, s19;
	[sflag:s24] =	ssyncset.done $0x0  }
0x80: {  	s12 =	simm.s32 @!p3 $0x4;
	s31 =	sadd.s32 @!p3 s31, s17;
	[sflag:s24] =	ssyncadd.s32 $0xFFFFC000  }
0x81: {  	[tilespmem:s11], [sflag:$0x4] =	stream.linear.gather @!p3 [hbm4b:s6+s11], $0x80, $0x38;
	[tilespmem:$0x1BA80] =	vst v63  }
0x82: {  	s6 =	sadd.s32 @!p3 $0x9C60, s31;
	s31 =	smov.u32 s10;
	_ =	swait.ge @!p3 [sflag:s12], $0x80  }
0x83: {  	s10 =	simm.s32 @!p3 $0x100;
	[sflag:s12] =	ssyncset.done @!p3 $0x0  }
0x84: {  	[sflag:s12] =	ssyncadd.s32 @!p3 $0xFFFFFF80  }
0x85: {  	[tilespmem:s10], [sflag:$0x4] =	stream.linear.gather @!p3 [hbm4b:s6+s11], $0x80, $0x38;
	[tilespmem:$0x1BA80] =	vst v63  }
0x86: {  	_ =	swait.ge @!p3 [sflag:s12], $0x80  }
0x87: {  	s6 =	simm.s32 @!p3 $0x80;
	s10 =	simm.s32 @!p3 $0x200;
	[sflag:s12] =	ssyncset.done @!p3 $0x0  }
0x88: {  	[sflag:s12] =	ssyncadd.s32 @!p3 $0xFFFFFF80  }
0x89: {  	[tilespmem:s10], [sflag:$0x1] =	stream.indirect.gather @!p3 [hbm4b:s1+s6], $0x80, s11, s6, $0xb8;
	[tilespmem:$0x1BA80] =	vst v63  }
.Ltmp1:
0x8a: {  	_ =	swait.ge [sflag:s29], $0x4000;
	(pc) =	sbr.rel @p2 .LBB2_4-.Ltmp1, $4  }
0x8b: {  	[sflag:s29] =	ssyncset.done $0x0  }
0x8c: {  	[sflag:s29] =	ssyncadd.s32 $0xFFFFC000  }
0x8d: {  	[spmem:s2] =	stream.indirect.scatter.add.f32 [tilespmem:s26], [sflag:$0x3], $0x80, s25, s23, $0xb8;
	[tilespmem:$0x1BA80] =	vst v63  }
0x8e: {  	s0 =	sadd.s32 $0x2, s0;
	_ =	swait.ge [sflag:s21], $0x4000  }
0x8f: {  	[sflag:s21] =	ssyncset.done $0x0  }
0x90: {  	s3 =	sadd.s32 s31, s18;
	[sflag:s21] =	ssyncadd.s32 $0xFFFFC000  }
0x91: {  	[tilespmem:s23], [sflag:$0x4] =	stream.linear.gather [hbm4b:s3+s4], $0x80, $0x38;
	[tilespmem:$0x1BA80] =	vst v63  }
0x92: {  	_ =	swait.ge [sflag:s24], $0x80  }
0x93: {  	s10 =	sadd.s32 s31, s17;
	[sflag:s24] =	ssyncset.done $0x0  }
0x94: {  	s3 =	sadd.s32 $0x9C50, s10;
	[sflag:s24] =	ssyncadd.s32 $0xFFFFFF80  }
0x95: {  	[tilespmem:s25], [sflag:$0x4] =	stream.linear.gather [hbm4b:s3+s4], $0x80, $0x38;
	[tilespmem:$0x1BA80] =	vst v63  }
0x96: {  	_ =	swait.ge [sflag:s24], $0x80  }
0x97: {  	[sflag:s24] =	ssyncset.done $0x0  }
0x98: {  	[sflag:s24] =	ssyncadd.s32 $0xFFFFFF80  }
0x99: {  	[tilespmem:s26], [sflag:$0x2] =	stream.indirect.gather [hbm4b:s1+s23], $0x80, s23, s23, $0xb8;
	[tilespmem:$0x1BA80] =	vst v63  }
0x9a: {  	_ =	swait.ge [sflag:s28], $0x4000  }
0x9b: {  	[sflag:s28] =	ssyncset.done $0x0  }
0x9c: {  	[sflag:s28] =	ssyncadd.s32 $0xFFFFC000  }
0x9d: {  	[spmem:s2] =	stream.indirect.scatter.add.f32 [tilespmem:s20], [sflag:$0x4], $0x80, s22, s23, $0xb8;
	[tilespmem:$0x1BA80] =	vst v63  }
0x9e: {  	p2 =	sge.u32 s0, s8;
	_ =	swait.ge [sflag:s24], $0x4000  }
0x9f: {  	s0 =	sadd.s32 @!p2 s31, s19;
	[sflag:s24] =	ssyncset.done $0x0  }
0xa0: {  	s6 =	simm.s32 @!p2 $0x4;
	s3 =	simm.s32 @!p2 $0x0;
	[sflag:s24] =	ssyncadd.s32 $0xFFFFC000  }
0xa1: {  	[tilespmem:s3], [sflag:$0x4] =	stream.linear.gather @!p2 [hbm4b:s0+s3], $0x80, $0x38;
	[tilespmem:$0x1BA80] =	vst v63  }
0xa2: {  	_ =	swait.ge @!p2 [sflag:s6], $0x80  }
0xa3: {  	s0 =	sadd.s32 @!p2 s31, s17;
	[sflag:s6] =	ssyncset.done @!p2 $0x0  }
0xa4: {  	s10 =	simm.s32 @!p2 $0x100;
	s0 =	sadd.s32 @!p2 $0x9C60, s0;
	[sflag:s6] =	ssyncadd.s32 @!p2 $0xFFFFFF80  }
0xa5: {  	[tilespmem:s10], [sflag:$0x4] =	stream.linear.gather @!p2 [hbm4b:s0+s3], $0x80, $0x38;
	[tilespmem:$0x1BA80] =	vst v63  }
0xa6: {  	_ =	swait.ge @!p2 [sflag:s6], $0x80  }
0xa7: {  	[sflag:s6] =	ssyncset.done @!p2 $0x0  }
0xa8: {  	s0 =	simm.s32 @!p2 $0x80;
	[sflag:s6] =	ssyncadd.s32 @!p2 $0xFFFFFF80;
	s6 =	simm.s32 @!p2 $0x200  }
0xa9: {  	[tilespmem:s6], [sflag:$0x1] =	stream.indirect.gather @!p2 [hbm4b:s1+s0], $0x80, s3, s0, $0xb8;
	[tilespmem:$0x1BA80] =	vst v63  }
0xaa: {  	_ =	swait.ge [sflag:s29], $0x4000  }
0xab: {  	[sflag:s29] =	ssyncset.done $0x0  }
0xac: {  	[sflag:s29] =	ssyncadd.s32 $0xFFFFC000  }
0xad: {  	[spmem:s2] =	stream.indirect.scatter.add.f32 [tilespmem:s26], [sflag:$0x3], $0x80, s25, s23, $0xb8;
	[tilespmem:$0x1BA80] =	vst v63  }
0xae: {  	_ =	swait.ge [sflag:s21], $0x4000  }
0xaf: {  	[sflag:s21] =	ssyncset.done $0x0  }
0xb0: {  	s0 =	simm.s32 @!p1 $0x1;
	[sflag:s21] =	ssyncadd.s32 $0xFFFFC000  }
0xb1: {  	_ =	swait.ge @!p1 [sflag:s0], $0x4000  }
0xb2: {  	s3 =	simm.s32 @!p1 $0x100;
	[sflag:s0] =	ssyncset.done @!p1 $0x0  }
0xb3: {  	s6 =	simm.s32 @!p1 $0x200;
	[sflag:s0] =	ssyncadd.s32 @!p1 $0xFFFFC000;
	s0 =	simm.s32 @!p1 $0x80  }
0xb4: {  	[spmem:s2] =	stream.indirect.scatter.add.f32 @!p1 [tilespmem:s6], [sflag:$0x4], $0x80, s3, s0, $0xb8;
	[tilespmem:$0x1BA80] =	vst v63  }
0xb5: {  	s0 =	simm.s32 @!p1 $0x4  }
0xb6: {  	_ =	swait.ge @!p1 [sflag:s0], $0x4000  }
0xb7: {  	[sflag:s0] =	ssyncset.done @!p1 $0x0  }
0xb8: {  	s11 =	stileid.u32;
	[sflag:s0] =	ssyncadd.s32 @!p1 $0xFFFFC000  }
0xb9: {  	s0 =	sshll.u32 s11, $0x6;
	[bflag:$0x0] =	sbarrier.arrive $0xFFFF  }
0xba: {  	s12 =	sshrl.u32 s5, $0x3;
	s0 =	sor.u32 $0x1C03, s0;
	s31 =	rddreg [dreg:$0x7]  }
0xbb: {  	[hbm:s31], [sflag:s0] =	dma.local [spmem:s12], $0x2700  }
0xbc: {  	s30 =	sadd.s32 $0x1, s30;
	_ =	swait.ge [sflag:s21], $0x2700  }
0xbd: {  	p2 =	sne.s32 s30, s13;
	[sflag:s21] =	ssyncset.done $0x0  }
0xbe: {  	s3 =	sshrl.u32 @!p0 s7, $0x3;
	s6 =	rddreg [dreg:$0x8];
	[sflag:s21] =	ssyncadd.s32 $0xFFFFD900  }
0xbf: {  	[hbm:s6], [sflag:s0] =	dma.local @!p0 [spmem:s3], $0x100  }
.Ltmp2:
0xc0: {  	_ = 	snop;
	(pc) =	sbr.rel @p2 .LBB2_1-.Ltmp2, $4  }
0xc1: {  	s0 =	simm.s32 @!p0 $0x3  }
0xc2: {  	_ =	swait.ge @!p0 [sflag:s0], $0x100  }
0xc3: {  	[sflag:s0] =	ssyncset.done @!p0 $0x0  }
0xc4: {  	[sflag:s0] =	ssyncadd.s32 @!p0 $0xFFFFFF00  }
0xc5: {  	_ =	sfence.sel $0x180000  }
0xc6: {  	[bflag:$0x0] =	sbarrier.arrive $0xFFFF  }
0xc7: {  	_ =	strace $0x90000047  }
0xc8: {  	s0 =	stileid.u32;
	[bflag:$0x2] =	sbarrier.arrive $0xFFFF  }
0xc9: {  	p0 =	sne.s32 s0, $0x0;
	s0 =	rddreg [dreg:$0x4]  }
0xca: {  	s0 =	sadd.s32 @!p0 $0x100000, s0  }
0xcb: {  	[sflag:s0] =	ssyncadd.tile.s32 @!p0 $0x1;
	_ =	shalt  }
.Lfunc_end2:
_tile_overlayer_lowered:
.L_overlay_start_2:
0xcc: {  	(tag) =	ssettag $0x2  }
0xcd: {  	s0 =	rddreg [dreg:$0x0];
	s2 =	stileid.u32  }
0xce: {  	s1 =	rddreg [dreg:$0x1];
	p0 =	sne.s32 s2, $0x0  }
0xcf: {  	s3 =	rddreg [dreg:$0x2];
	[bflag:$0x3] =	sbarrier.arrive $0xFFFF;
	s2 =	simm.s32 @!p0 $0x1C03  }
0xd0: {  	[timem:s3], [sflag:s2] =	dma.local @!p0 [hbm:s0], s1  }
0xd1: {  	s0 =	simm.s32 @!p0 $0x3  }
0xd2: {  	_ =	swait.ge @!p0 [sflag:s0], s1  }
0xd3: {  	s1 =	ssub.s32 @!p0 $0x0, s1;
	[sflag:s0] =	ssyncset.done @!p0 $0x0  }
0xd4: {  	[sflag:s0] =	ssyncadd.s32 @!p0 s1  }
0xd5: {  	[bflag:$0x3] =	sbarrier.arrive $0xFFFF  }
0xd6: {  	_ =	shalt  }

// kernel: kernel.8.cloned.1.call-start
scs
__scs_entry_jumppad:
0x0: {  	(pc) =	sbr.rel $0x88, $3  }
0x1: {  	(tag) =	ssettag $0x0;
	lr =	simm.s32 $0x1  }
0x2: {  	[smem:$0x3F9A] =	sst lr;
	_ =	strace $0xD0000000  }
0x3: {  	_ = 	snop  }
0x4: {  	_ = 	snop  }
0x5: {  	_ = 	snop  }
0x6: {  	_ = 	snop  }
0x7: {  	_ = 	snop  }
__scs_overlays_trampoline_lowered:
0x8: {  	[smem:$0x3FA9] =	sst s0  }
0x9: {  	[smem:$0x3FAA] =	sst s1  }
0xa: {  	[smem:$0x3FAB] =	sst s2  }
0xb: {  	[smem:$0x3FAC] =	sst s3  }
0xc: {  	[smem:$0x3FAD] =	sst s4  }
0xd: {  	[smem:$0x3FAE] =	sst s5  }
0xe: {  	[smem:$0x3FAF] =	sst s6  }
0xf: {  	[smem:$0x3FB0] =	sst s7  }
0x10: {  	[smem:$0x3FB1] =	sst s8  }
0x11: {  	[smem:$0x3FB2] =	sst s9;
	s0 =	simm.s32 @!p0 $0x0  }
0x12: {  	s1 =	sld [smem:$0x3F98];
	s0 =	simm.s32 @p0 $0x1  }
0x13: {  	[smem:$0x3FB3] =	sst s0;
	s0 =	simm.s32 @!p1 $0x0  }
0x14: {  	s2 =	sld [smem:$0x3F97];
	s0 =	simm.s32 @p1 $0x1  }
0x15: {  	[smem:$0x3FB4] =	sst s0;
	s0 =	simm.s32 @!p2 $0x0  }
0x16: {  	s3 =	sld [smem:$0x3FDB];
	s0 =	simm.s32 @p2 $0x1  }
0x17: {  	s4 =	simm.s32 $0x1BF5;
	[smem:$0x3FB6] =	sst s0  }
0x18: {  	s0 =	sld [smem:$0x3F99];
	_ =	swait.ge [sflag:s4], $0x0  }
0x19: {  	s7 =	sld [smem:$0x3F9A]  }
0x1a: {  	s8 =	sadd.s32 $0xFFFFE003, lr  }
0x1b: {  	s9 =	sadd.s32 $0xFFFFFEF7, lr;
	s5 =	simm.s32 $0xFFFFFFFF;
	p2 =	slt.u32 s8, $0xFFFFF086  }
0x1c: {  	p1 =	slt.u32 s9, $0xF7A;
	s5 =	simm.s32 @!p2 $0x0  }
0x1d: {  	s5 =	simm.s32 @p1 $0x1;
	p0 =	seq.s32 s7, s2  }
0x1e: {  	s7 =	smul.u32 @!p0 $0xF7A, s2;
	p2 =	seq.s32 @!p0 s5, $0x0  }
0x1f: {  	s9 =	smul.u32 $0xF7A, s1;
	s8 =	simm.s32 @!p0 $0x1BF5;
	p2 =	por !p2, p0  }
0x20: {  	[sflag:s8] =	ssyncset.s32 @!p0 $0xFFFFF086;
	s6 =	sadd.s32 @!p0 s3, s7;
	s7 =	simm.s32 @!p0 $0x108  }
0x21: {  	s3 =	sadd.s32 s3, s9;
	s6 =	sadd.s32 @!p0 $0x88, s6;
	s7 =	simm.s32 @p2 $0x1082  }
0x22: {  	[simem:s7], [sflag:s8] =	dma.local @!p0 [hbm:s6], $0xF7A  }
0x23: {  	s9 =	sor.u32 $0xD0000000, s2;
	s6 =	simm.s32 $0x108;
	_ =	swait.ge @!p0 [sflag:s8], $0x0  }
0x24: {  	s3 =	sadd.s32 $0x88, s3;
	s6 =	simm.s32 @!p1 $0x1082;
	[sflag:s4] =	ssyncset.s32 $0xFFFFF086  }
0x25: {  	[simem:s6], [sflag:s4] =	dma.local [hbm:s3], $0xF7A  }
0x26: {  	[smem:$0x3F9A] =	sst s1;
	(tag) =	ssettag s2;
	_ =	strace s9  }
0x27: {  	s1 =	sld [smem:$0x3FAA]  }
0x28: {  	s2 =	sld [smem:$0x3FAB]  }
0x29: {  	s4 =	sld [smem:$0x3FAD]  }
0x2a: {  	p0 =	seq.s32 s5, $0x0;
	s5 =	sld [smem:$0x3FAE]  }
0x2b: {  	s6 =	sld [smem:$0x3FAF]  }
0x2c: {  	s7 =	sld [smem:$0x3FB0]  }
0x2d: {  	s3 =	simm.s32 $0x108;
	s8 =	sld [smem:$0x3FB1]  }
0x2e: {  	s3 =	simm.s32 @!p0 $0x1082;
	s9 =	sld [smem:$0x3FB2]  }
0x2f: {  	lr =	sadd.s32 s0, s3;
	s0 =	sld [smem:$0x3FA9]  }
0x30: {  	s3 =	sld [smem:$0x3FAC]  }
0x31: {  	[smem:$0x3FB5] =	sst s10  }
0x32: {  	s10 =	sld [smem:$0x3FB3];
	_ =	sdelay $0x3  }
0x33: {  	p0 =	seq.s32 s10, $0x1;
	s10 =	sld [smem:$0x3FB5];
	_ =	sdelay $0x3  }
0x34: {  	[smem:$0x3FB5] =	sst s10  }
0x35: {  	s10 =	sld [smem:$0x3FB4];
	_ =	sdelay $0x3  }
0x36: {  	p1 =	seq.s32 s10, $0x1;
	s10 =	sld [smem:$0x3FB5];
	_ =	sdelay $0x3  }
0x37: {  	[smem:$0x3FB5] =	sst s10  }
0x38: {  	s10 =	sld [smem:$0x3FB6]  }
0x39: {  	_ = 	snop;
	(pc) =	sbr.ind lr, $3  }
0x3a: {  	_ = 	snop  }
0x3b: {  	_ = 	snop  }
0x3c: {  	p2 =	seq.s32 s10, $0x1;
	s10 =	sld [smem:$0x3FB5]  }
0x3d: {  	_ =	shalt  }
0x3e: {  	_ =	shalt  }
0x3f: {  	_ =	shalt  }
0x40: {  	_ =	shalt  }
0x41: {  	_ =	shalt  }
0x42: {  	_ =	shalt  }
0x43: {  	_ =	shalt  }
0x44: {  	_ =	shalt  }
0x45: {  	_ =	shalt  }
0x46: {  	_ =	shalt  }
0x47: {  	_ =	shalt  }
0x48: {  	_ =	shalt  }
0x49: {  	_ =	shalt  }
0x4a: {  	_ =	shalt  }
0x4b: {  	_ =	shalt  }
0x4c: {  	_ =	shalt  }
0x4d: {  	_ =	shalt  }
0x4e: {  	_ =	shalt  }
0x4f: {  	_ =	shalt  }
0x50: {  	_ =	shalt  }
0x51: {  	_ =	shalt  }
0x52: {  	_ =	shalt  }
0x53: {  	_ =	shalt  }
0x54: {  	_ =	shalt  }
0x55: {  	_ =	shalt  }
0x56: {  	_ =	shalt  }
0x57: {  	_ =	shalt  }
0x58: {  	_ =	shalt  }
0x59: {  	_ =	shalt  }
0x5a: {  	_ =	shalt  }
0x5b: {  	_ =	shalt  }
0x5c: {  	_ =	shalt  }
0x5d: {  	_ =	shalt  }
0x5e: {  	_ =	shalt  }
0x5f: {  	_ =	shalt  }
0x60: {  	_ =	shalt  }
0x61: {  	_ =	shalt  }
0x62: {  	_ =	shalt  }
0x63: {  	_ =	shalt  }
0x64: {  	_ =	shalt  }
0x65: {  	_ =	shalt  }
0x66: {  	_ =	shalt  }
0x67: {  	_ =	shalt  }
0x68: {  	_ =	shalt  }
0x69: {  	_ =	shalt  }
0x6a: {  	_ =	shalt  }
0x6b: {  	_ =	shalt  }
0x6c: {  	_ =	shalt  }
0x6d: {  	_ =	shalt  }
0x6e: {  	_ =	shalt  }
0x6f: {  	_ =	shalt  }
0x70: {  	_ =	shalt  }
0x71: {  	_ =	shalt  }
0x72: {  	_ =	shalt  }
0x73: {  	_ =	shalt  }
0x74: {  	_ =	shalt  }
0x75: {  	_ =	shalt  }
0x76: {  	_ =	shalt  }
0x77: {  	_ =	shalt  }
0x78: {  	_ =	shalt  }
0x79: {  	_ =	shalt  }
0x7a: {  	_ =	shalt  }
0x7b: {  	_ =	shalt  }
0x7c: {  	_ =	shalt  }
0x7d: {  	_ =	shalt  }
0x7e: {  	_ =	shalt  }
0x7f: {  	_ =	shalt  }
0x80: {  	_ =	shalt  }
0x81: {  	_ =	shalt  }
0x82: {  	_ =	shalt  }
0x83: {  	_ =	shalt  }
0x84: {  	_ =	shalt  }
0x85: {  	_ =	shalt  }
0x86: {  	_ =	shalt  }
0x87: {  	_ =	shalt  }
.Lfunc_end0:
.L_simem_size_0:
called_computation.1_lowered:
.L_overlay_start_0:
0x88: {  	s2 =	sld [smem:$0x3FD9]  }
0x89: {  	s3 =	sld [smem:$0x3FFE];
	_ =	sdelay $0x1  }
0x8a: {  	s1 =	srdreg.scid  }
0x8b: {  	s0 =	sand.u32 $0x1, s1  }
0x8c: {  	s17 =	sshll.u32 s0, $0xA;
	s2 =	sadd.s32 s3, s2  }
0x8d: {  	s2 =	sadd.s32 s2, s17  }
0x8e: {  	[smem:$0x3FC1] =	sst s2  }
0x8f: {  	_ = 	snop  }
0x90: {  	(tm) =	ssettm $0x1  }
0x91: {  	s18 =	sld [smem:$0x3FFB];
	_ =	sdelay $0x3  }
0x92: {  	_ =	strace s18  }
0x93: {  	s2 =	sld [smem:$0x3FFC];
	_ =	sdelay $0x3  }
0x94: {  	_ =	strace s2  }
0x95: {  	s2 =	sld [smem:$0x3FFD];
	_ =	sdelay $0x3  }
0x96: {  	_ =	strace s2  }
0x97: {  	_ =	strace $0x8FFFFFFF  }
0x98: {  	s19 =	sld [smem:$0x3FDB];
	_ =	sdelay $0x1  }
0x99: {  	s20 =	simm.s32 $_scs_section_size  }
0x9a: {  	s4 =	simm.s32 $_size__tile_overlayer_lowered;
	s5 =	simm.s32 $_tile_overlayer_lowered  }
0x9b: {  	s6 =	simm.s32 $0x1BFF;
	s21 =	sshll.u32 s5, $0x1;
	s3 =	sadd.s32 s20, s19  }
0x9c: {  	s22 =	simm.s32 $0x0;
	s4 =	sshll.u32 s4, $0x1;
	s5 =	sadd.s32 s21, s3  }
0x9d: {  	[timem:s22], [sflag:s6] =	dma.local [hbm:s5], s4  }
0x9e: {  	_ =	swait.ge [sflag:s6], s4  }
0x9f: {  	s4 =	ssub.s32 $0x0, s4;
	[sflag:s6] =	ssyncset.done $0x0  }
0xa0: {  	[sflag:s6] =	ssyncadd.s32 s4;
	_ =	sdelay $0x1  }
0xa1: {  	s23 =	simm.s32 $0x1B8B  }
0xa2: {  	_ =	swait.ge [sflag:s23], $0x1  }
0xa3: {  	[sflag:s23] =	ssyncset.done $0x0  }
0xa4: {  	[sflag:s23] =	ssyncadd.s32 $0xFFFFFFFF  }
0xa5: {  	s4 =	sld [smem:$0x0]  }
0xa6: {  	s5 =	sand.u32 $0xFFFFFFFE, s1  }
0xa7: {  	p0 =	sne.s32 s1, s5  }
0xa8: {  	s5 =	sshll.u32 @p0 s5, $0xE  }
0xa9: {  	s5 =	sadd.s32 @p0 $0x11B8D, s5;
	s6 =	sshll.u32 @p0 s4, $0x11  }
0xaa: {  	s5 =	sor.u32 @p0 s6, s5  }
0xab: {  	[sflag:s5] =	ssyncadd.remote.s32 @p0 $0x1;
	_ =	sdelay $0x1  }
0xac: {  	s5 =	simm.s32 @p0 $0x1B8D  }
0xad: {  	_ =	swait.eq @p0 [sflag:s5], $0x1  }
0xae: {  	[sflag:s5] =	ssyncadd.s32 @p0 $0xFFFFFFFF  }
0xaf: {  	s6 =	sshll.u32 @!p0 s1, $0xE  }
0xb0: {  	s6 =	sor.u32 @!p0 $0x4000, s6;
	s5 =	simm.s32 @!p0 $0x1B8D  }
0xb1: {  	s4 =	sshll.u32 @!p0 s4, $0x11;
	s6 =	sadd.s32 @!p0 $0x11B8D, s6;
	_ =	swait.eq @!p0 [sflag:s5], $0x1  }
0xb2: {  	s4 =	sor.u32 @!p0 s4, s6;
	[sflag:s5] =	ssyncadd.s32 @!p0 $0xFFFFFFFF  }
0xb3: {  	s25 =	simm.s32 $0x1B8E;
	s24 =	sld [smem:$0x3FFE];
	[sflag:s4] =	ssyncadd.remote.s32 @!p0 $0x1  }
0xb4: {  	s26 =	simm.s32 $execute0_lowered;
	[smem:$0x3FD2] =	sst s25  }
0xb5: {  	s5 =	sshll.u32 s26, $0x1;
	_ =	strace $0x80000049;
	[dreg:$0x1] =	wrdreg $0xFFFFFFFF  }
0xb6: {  	s28 =	simm.s32 $_size_execute0_lowered;
	s3 =	sadd.s32 s3, s5;
	[dreg:$0x0] =	wrdreg $0x0  }
0xb7: {  	s5 =	sshll.u32 s28, $0x1;
	[dreg:$0x2] =	wrdreg s3  }
0xb8: {  	[dreg:$0x3] =	wrdreg s5  }
0xb9: {  	[dreg:$0x4] =	wrdreg $0xC0  }
0xba: {  	_ =	task [dreg:s22], $0x5FFFF  }
0xbb: {  	[dreg:$0x1] =	wrdreg $0xFFFFFFFF  }
0xbc: {  	[dreg:$0x0] =	wrdreg $0x60  }
0xbd: {  	[dreg:$0x2] =	wrdreg s24  }
0xbe: {  	[dreg:$0x3] =	wrdreg $0x41000  }
0xbf: {  	[dreg:$0x4] =	wrdreg $0xA  }
0xc0: {  	_ =	task.clear_ibuf [dreg:s22], $0x5FFFF;
	_ =	strace $0x90000049  }
0xc1: {  	s29 =	simm.s32 $0xA;
	_ =	strace $0x8000004B  }
0xc2: {  	_ =	swait.ge [sflag:s29], $0x1  }
0xc3: {  	[sflag:s29] =	ssyncadd.s32 $0xFFFFFFFF  }
0xc4: {  	_ =	strace $0x9000004B  }
0xc5: {  	_ =	sfence  }
0xc6: {  	s30 =	sld [smem:$0x0];
	_ =	sdelay $0x2  }
0xc7: {  	s31 =	sshll.u32 s1, $0xD;
	s1 =	sshrl.u32 s1, $0x2  }
0xc8: {  	s4 =	sand.u32 $0x4000, s31;
	s1 =	sadd.s32 s1, s30  }
0xc9: {  	s0 =	sor.u32 s4, s0;
	s1 =	sshll.u32 s1, $0x11  }
0xca: {  	s0 =	sor.u32 s1, s0  }
0xcb: {  	s0 =	sadd.s32 $0x8F2B, s0  }
0xcc: {  	[sflag:s0] =	ssyncadd.remote.s32 $0x1  }
0xcd: {  	_ =	sfence.sel $0xFFFF  }
0xce: {  	[dreg:$0x0] =	wrdreg $0xFFFFFFFF;
	(pc) =	sbr.abs _section_cstart, $3  }
0xcf: {  	[dreg:$0x1] =	wrdreg $0xFFFFFFFF  }
0xd0: {  	_ =	task.clear_ibuf [dreg:s22], $0x2FFFF;
	_ =	strace $0x9FFFFFFF  }
0xd1: {  	(tm) =	ssettm $0x7FFFFFFF  }
tec
execute0_lowered:
.L_overlay_start_1:
0x0: {  	(tag) =	ssettag $0x1  }
0x1: {  	s4 =	rddreg [dreg:$0x0]  }
0x2: {  	s1 =	rddreg [dreg:$0x1]  }
0x3: {  	s0 =	rddreg [dreg:$0x2];
	s3 =	simm.s32 $0x0;
	s2 =	stileid.u32  }
0x4: {  	s5 =	srdreg.scid;
	s18 =	simm.s32 $0x3;
	s24 =	smul.u32 $0x4E000, s2  }
0x5: {  	s19 =	simm.s32 $0x80;
	s20 =	simm.s32 $0x2;
	s10 =	smul.u32 $0x2700, s2  }
0x6: {  	[smem:$0x7FF] =	sst s3;
	s7 =	sand.u32 $0x1, s5;
	s17 =	smul.u32 $0x4E, s2  }
0x7: {  	s15 =	sadd.s32 $0x1A00, s4;
	s9 =	sadd.s32 $0x59A00, s4;
	s12 =	smul.u32 $0x27100, s7  }
0x8: {  	_ =	strace $0x8000004A;
	s6 =	ssub.s32 $0x2, s7;
	s14 =	smul.u32 $0x138800, s7  }
0x9: {  	s25 =	sshll.u32 s7, $0x4;
	s16 =	smul.u32 $0x4E0, s7;
	s7 =	simm.s32 $0x4F  }
0xa: {  	s21 =	sor.u32 s2, s25;
	s26 =	sshrl.u32 s24, $0x2;
	s28 =	sshrl.u32 s6, $0x1  }
0xb: {  	s4 =	sadd.s32 s26, s1;
	s8 =	smul.u32 $0x4E, s21;
	s11 =	ssub.s32 s6, s28  }
0xc: {  	s6 =	sadd.s32 $0x138000, s1;
	s13 =	smin.u32 s21, $0x4;
	p0 =	slt.u32 s21, $0x4  }
0xd: {  	s14 =	sshrl.u32 s14, $0x3;
	s10 =	sadd.s32 s10, s12;
	s30 =	sadd.s32 s17, s16  }
0xe: {  	s17 =	simm.s32 $0x100;
	p1 =	sgt.u32 s21, $0x3;
	s21 =	simm.s32 $0x0  }
0xf: {  	s5 =	sadd.s32 $0x10000, s4;
	s7 =	simm.s32 @!p0 $0x4E;
	s29 =	sadd.s32 s9, s14  }
0x10: {  	s9 =	sadd.s32 s9, s10;
	s11 =	smax.u32 s11, $0x1;
	s12 =	sadd.s32 $0x4000, s4  }
0x11: {  	s14 =	sadd.s32 $0xC000, s4;
	s8 =	sadd.s32 s13, s8;
	s13 =	sadd.s32 s13, s30  }
0x12: {  	p0 =	sne.s32 s2, $0xF;
	s10 =	sadd.s32 $0x27000, s29;
	s31 =	sshll.u32 s13, $0x4  }
0x13: {  	s8 =	sshll.u32 s8, $0x4;
	s13 =	sadd.s32 $0x8000, s4;
	s16 =	sadd.s32 s31, s15  }
0x14: {  	v0 =	vimm.f32 $0.0e+00;
	v1 =	vimm.f32 $1.000000000e+00;
	s8 =	sadd.s32 s15, s8;
	s15 =	sadd.s32 $0x10, s16;
	s16 =	sadd.s32 $0x20, s16  }
.LBB2_1:
0x15: {  	s22 =	simm.s32 $0x0;
	s23 =	simm.s32 $0x200  }
.LBB2_2:
0x16: {  	p2 =	sne.s32 s23, $0xFE00;
	[tilespmem:s22+$0x170] =	vst v0  }
0x17: {  	[tilespmem:s22+$0x100] =	vst v0  }
0x18: {  	[tilespmem:s22+$0x110] =	vst v0  }
.Ltmp0:
0x19: {  	[tilespmem:s22+$0x120] =	vst v0;
	(pc) =	sbr.rel @p2 .LBB2_2-.Ltmp0, $4  }
0x1a: {  	[tilespmem:s22+$0x130] =	vst v0  }
0x1b: {  	[tilespmem:s22+$0x140] =	vst v0  }
0x1c: {  	[tilespmem:s22+$0x150] =	vst v0  }
0x1d: {  	[tilespmem:s22+$0x160] =	vst v0;
	s22 =	sshra.s32 s23, $0x2;
	s23 =	sadd.s32 $0x200, s23  }
0x1e: {  	[tilespmem:s22+$0x170] =	vst v0  }
0x1f: {  	[tilespmem:s22+$0x100] =	vst v0  }
0x20: {  	[tilespmem:s22+$0x110] =	vst v0  }
0x21: {  	[tilespmem:s22+$0x120] =	vst v0  }
0x22: {  	[tilespmem:s22+$0x130] =	vst v0  }
0x23: {  	[tilespmem:s22+$0x140] =	vst v0  }
0x24: {  	[tilespmem:s22+$0x150] =	vst v0  }
0x25: {  	[tilespmem:s22+$0x160] =	vst v0  }
0x26: {  	[spmem:s4] =	stream.linear.scatter [tilespmem:s17], [sflag:$0x3], $0x4000, $0x38;
	[tilespmem:$0x17980] =	vst v63  }
0x27: {  	_ =	swait.ge [sflag:s18], $0x4000  }
0x28: {  	[sflag:s18] =	ssyncset.done $0x0  }
0x29: {  	[sflag:s18] =	ssyncadd.s32 $0xFFFFC000  }
0x2a: {  	[spmem:s12] =	stream.linear.scatter [tilespmem:s17], [sflag:$0x3], $0x4000, $0x38;
	[tilespmem:$0x17980] =	vst v63  }
0x2b: {  	_ =	swait.ge [sflag:s18], $0x4000  }
0x2c: {  	[sflag:s18] =	ssyncset.done $0x0  }
0x2d: {  	[sflag:s18] =	ssyncadd.s32 $0xFFFFC000  }
0x2e: {  	[spmem:s13] =	stream.linear.scatter [tilespmem:s17], [sflag:$0x3], $0x4000, $0x38;
	[tilespmem:$0x17980] =	vst v63  }
0x2f: {  	_ =	swait.ge [sflag:s18], $0x4000  }
0x30: {  	[sflag:s18] =	ssyncset.done $0x0  }
0x31: {  	[sflag:s18] =	ssyncadd.s32 $0xFFFFC000  }
0x32: {  	[spmem:s14] =	stream.linear.scatter [tilespmem:s17], [sflag:$0x3], $0x4000, $0x38;
	[tilespmem:$0x17980] =	vst v63  }
0x33: {  	_ =	swait.ge [sflag:s18], $0x4000  }
0x34: {  	[sflag:s18] =	ssyncset.done $0x0  }
0x35: {  	[sflag:s18] =	ssyncadd.s32 $0xFFFFC000  }
0x36: {  	[spmem:s5] =	stream.linear.scatter [tilespmem:s17], [sflag:$0x3], $0x3800, $0x38;
	[tilespmem:$0x17980] =	vst v63  }
0x37: {  	_ =	swait.ge [sflag:s18], $0x3800  }
0x38: {  	[sflag:s18] =	ssyncset.done $0x0  }
0x39: {  	s22 =	simm.s32 @!p0 $0x100;
	[sflag:s18] =	ssyncadd.s32 $0xFFFFC800  }
0x3a: {  	[spmem:s6] =	stream.linear.scatter @!p0 [tilespmem:s22], [sflag:$0x3], $0x800, $0x38;
	[tilespmem:$0x17980] =	vst v63  }
0x3b: {  	s22 =	simm.s32 @!p0 $0x3  }
0x3c: {  	_ =	swait.ge @!p0 [sflag:s22], $0x800  }
0x3d: {  	[sflag:s22] =	ssyncset.done @!p0 $0x0  }
0x3e: {  	s23 =	simm.s32 $0x0;
	[sflag:s22] =	ssyncadd.s32 @!p0 $0xFFFFF800;
	s22 =	simm.s32 $0x200  }
.LBB2_4:
0x3f: {  	p2 =	sne.s32 s22, $0xFE00;
	[tilespmem:s23+$0x100] =	vst v1;
	s23 =	smov.u32 s22;
	s22 =	sadd.s32 $0x200, s22  }
.Ltmp1:
0x40: {  	(pc) =	sbr.rel @p2 .LBB2_4-.Ltmp1, $2  }
0x41: {  	_ =	sdelay $0x2  }
0x42: {  	s23 =	sshra.s32 s23, $0x2  }
0x43: {  	[tilespmem:s23+$0x100] =	vst v1  }
0x44: {  	[bflag:$0x0] =	sbarrier.arrive $0xFFFF  }
0x45: {  	[tilespmem:s3], [sflag:$0x3] =	stream.linear.gather [hbm4b:s8+s3], $0x80, $0x38;
	[tilespmem:$0x17980] =	vst v63  }
0x46: {  	_ =	swait.ge [sflag:s18], $0x80  }
0x47: {  	[sflag:s18] =	ssyncset.done $0x0  }
0x48: {  	[sflag:s18] =	ssyncadd.s32 $0xFFFFFF80  }
0x49: {  	[tilespmem:s19], [sflag:$0x2] =	stream.linear.gather [hbm4b:s15+s3], $0x80, $0x38;
	[tilespmem:$0x17980] =	vst v63  }
0x4a: {  	_ = 	snop  }
0x4b: {  	[spmem:s1] =	stream.indirect.scatter.add.f32 [tilespmem:s17], [sflag:$0x3], $0x80, s3, s19, $0xb8;
	[tilespmem:$0x17980] =	vst v63  }
0x4c: {  	_ =	swait.ge [sflag:s18], $0x4000  }
0x4d: {  	[sflag:s18] =	ssyncset.done $0x0  }
0x4e: {  	[sflag:s18] =	ssyncadd.s32 $0xFFFFC000  }
0x4f: {  	_ =	swait.ge [sflag:s20], $0x80  }
0x50: {  	p2 =	sle.u32 s7, $0x2;
	[sflag:s20] =	ssyncset.done $0x0  }
0x51: {  	s22 =	simm.s32 @p2 $0x80;
	s23 =	simm.s32 @p2 $0x100;
	[sflag:s20] =	ssyncadd.s32 $0xFFFFFF80  }
0x52: {  	[spmem:s1] =	stream.indirect.scatter.add.f32 @p2 [tilespmem:s23], [sflag:$0x3], $0x80, s22, s22, $0xb8;
	[tilespmem:$0x17980] =	vst v63  }
0x53: {  	s22 =	simm.s32 @p2 $0x3  }
0x54: {  	_ =	swait.ge @p2 [sflag:s22], $0x4000  }
0x55: {  	[sflag:s22] =	ssyncset.done @p2 $0x0  }
0x56: {  	s23 =	simm.s32 @!p2 $0x0;
	[sflag:s22] =	ssyncadd.s32 @p2 $0xFFFFC000  }
0x57: {  	[tilespmem:s23], [sflag:$0x1] =	stream.linear.gather @!p2 [hbm4b:s16+s23], $0x80, $0x38;
	[tilespmem:$0x17980] =	vst v63  }
0x58: {  	s24 =	simm.s32 @!p2 $0x3;
	s22 =	simm.s32 @!p2 $0x80;
	s23 =	simm.s32 @!p2 $0x100  }
0x59: {  	[spmem:s1] =	stream.indirect.scatter.add.f32 @!p2 [tilespmem:s23], [sflag:$0x3], $0x80, s22, s22, $0xb8;
	[tilespmem:$0x17980] =	vst v63  }
0x5a: {  	_ =	swait.ge @!p2 [sflag:s24], $0x4000  }
0x5b: {  	[sflag:s24] =	ssyncset.done @!p2 $0x0  }
0x5c: {  	s25 =	simm.s32 @!p2 $0x1;
	s22 =	simm.s32 $0x4;
	[sflag:s24] =	ssyncadd.s32 @!p2 $0xFFFFC000  }
0x5d: {  	s23 =	sadd.s32 $0x20, s16;
	s24 =	smov.u32 s15;
	_ =	swait.ge @!p2 [sflag:s25], $0x80  }
.LBB2_6:
0x5e: {  	[sflag:s25] =	ssyncset.done @!p2 $0x0  }
0x5f: {  	s24 =	sadd.s32 $0x20, s24;
	s26 =	smov.u32 s22;
	s22 =	sadd.s32 $0x2, s22  }
0x60: {  	p3 =	sne.s32 s22, $0x50;
	[sflag:s25] =	ssyncadd.s32 @!p2 $0xFFFFFF80  }
0x61: {  	[tilespmem:s19], [sflag:$0x2] =	stream.linear.gather [hbm4b:s24+s3], $0x80, $0x38;
	[tilespmem:$0x17980] =	vst v63  }
0x62: {  	_ = 	snop  }
0x63: {  	[spmem:s1] =	stream.indirect.scatter.add.f32 [tilespmem:s17], [sflag:$0x3], $0x80, s3, s19, $0xb8;
	[tilespmem:$0x17980] =	vst v63  }
0x64: {  	_ =	swait.ge [sflag:s18], $0x4000  }
0x65: {  	[sflag:s18] =	ssyncset.done $0x0  }
0x66: {  	[sflag:s18] =	ssyncadd.s32 $0xFFFFC000  }
0x67: {  	_ =	swait.ge [sflag:s20], $0x80  }
0x68: {  	p2 =	sge.u32 s26, s7;
	[sflag:s20] =	ssyncset.done $0x0  }
0x69: {  	s25 =	simm.s32 @p2 $0x80;
	s26 =	simm.s32 @p2 $0x100;
	[sflag:s20] =	ssyncadd.s32 $0xFFFFFF80  }
0x6a: {  	[spmem:s1] =	stream.indirect.scatter.add.f32 @p2 [tilespmem:s26], [sflag:$0x3], $0x80, s25, s25, $0xb8;
	[tilespmem:$0x17980] =	vst v63  }
0x6b: {  	s25 =	simm.s32 @p2 $0x3  }
0x6c: {  	_ =	swait.ge @p2 [sflag:s25], $0x4000  }
0x6d: {  	s26 =	simm.s32 @!p2 $0x0;
	[sflag:s25] =	ssyncset.done @p2 $0x0  }
0x6e: {  	s28 =	simm.s32 @!p2 $0x100;
	[sflag:s25] =	ssyncadd.s32 @p2 $0xFFFFC000;
	s25 =	simm.s32 @!p2 $0x80  }
0x6f: {  	[tilespmem:s26], [sflag:$0x1] =	stream.linear.gather @!p2 [hbm4b:s23+s26], $0x80, $0x38;
	[tilespmem:$0x17980] =	vst v63  }
0x70: {  	s26 =	simm.s32 @!p2 $0x3  }
0x71: {  	[spmem:s1] =	stream.indirect.scatter.add.f32 @!p2 [tilespmem:s28], [sflag:$0x3], $0x80, s25, s25, $0xb8;
	[tilespmem:$0x17980] =	vst v63  }
.Ltmp2:
0x72: {  	_ = 	snop;
	(pc) =	sbr.rel @p3 .LBB2_6-.Ltmp2, $4  }
0x73: {  	_ =	swait.ge @!p2 [sflag:s26], $0x4000  }
0x74: {  	s25 =	simm.s32 @!p2 $0x1;
	[sflag:s26] =	ssyncset.done @!p2 $0x0  }
0x75: {  	[sflag:s26] =	ssyncadd.s32 @!p2 $0xFFFFC000  }
0x76: {  	s23 =	sadd.s32 $0x20, s23;
	_ =	swait.ge @!p2 [sflag:s25], $0x80  }
0x77: {  	[sflag:s25] =	ssyncset.done @!p2 $0x0;
	s22 =	simm.s32 @!p1 $0x80  }
0x78: {  	s23 =	simm.s32 @!p1 $0x0;
	s24 =	simm.s32 @!p1 $0x100;
	[sflag:s25] =	ssyncadd.s32 @!p2 $0xFFFFFF80  }
0x79: {  	[spmem:s1] =	stream.indirect.scatter.add.f32 @!p1 [tilespmem:s24], [sflag:$0x3], $0x80, s23, s22, $0xb8;
	[tilespmem:$0x17980] =	vst v63  }
0x7a: {  	s22 =	simm.s32 @!p1 $0x3  }
0x7b: {  	_ =	swait.ge @!p1 [sflag:s22], $0x4000  }
0x7c: {  	[sflag:s22] =	ssyncset.done @!p1 $0x0  }
0x7d: {  	s30 =	sshll.u32 s2, $0x6;
	[sflag:s22] =	ssyncadd.s32 @!p1 $0xFFFFC000  }
0x7e: {  	s31 =	sshrl.u32 s4, $0x3;
	s22 =	sor.u32 $0x1C03, s30;
	[bflag:$0x0] =	sbarrier.arrive $0xFFFF  }
0x7f: {  	[hbm:s9], [sflag:s22] =	dma.local [spmem:s31], $0x2700  }
0x80: {  	_ =	swait.ge [sflag:s18], $0x2700  }
0x81: {  	s21 =	sadd.s32 $0x1, s21;
	[sflag:s18] =	ssyncset.done $0x0  }
0x82: {  	p2 =	sne.s32 s21, s11;
	s23 =	sshrl.u32 @!p0 s6, $0x3;
	[sflag:s18] =	ssyncadd.s32 $0xFFFFD900  }
0x83: {  	[hbm:s10], [sflag:s22] =	dma.local @!p0 [spmem:s23], $0x100  }
.Ltmp3:
0x84: {  	_ = 	snop;
	(pc) =	sbr.rel @p2 .LBB2_1-.Ltmp3, $4  }
0x85: {  	s22 =	simm.s32 @!p0 $0x3  }
0x86: {  	_ =	swait.ge @!p0 [sflag:s22], $0x100  }
0x87: {  	[sflag:s22] =	ssyncset.done @!p0 $0x0  }
0x88: {  	[sflag:s22] =	ssyncadd.s32 @!p0 $0xFFFFFF00  }
0x89: {  	_ =	sfence.sel $0x180000  }
0x8a: {  	[bflag:$0x0] =	sbarrier.arrive $0xFFFF  }
0x8b: {  	p0 =	sne.s32 s2, $0x0;
	_ =	strace $0x9000004A  }
0x8c: {  	s0 =	sadd.s32 @!p0 $0x100000, s0;
	[bflag:$0x2] =	sbarrier.arrive $0xFFFF  }
0x8d: {  	[sflag:s0] =	ssyncadd.tile.s32 @!p0 $0x1;
	_ =	shalt  }
.Lfunc_end2:
_tile_overlayer_lowered:
.L_overlay_start_2:
0x8e: {  	(tag) =	ssettag $0x2  }
0x8f: {  	s0 =	rddreg [dreg:$0x0];
	s2 =	stileid.u32  }
0x90: {  	s1 =	rddreg [dreg:$0x1];
	p0 =	sne.s32 s2, $0x0  }
0x91: {  	s3 =	rddreg [dreg:$0x2];
	[bflag:$0x3] =	sbarrier.arrive $0xFFFF;
	s2 =	simm.s32 @!p0 $0x1C03  }
0x92: {  	[timem:s3], [sflag:s2] =	dma.local @!p0 [hbm:s0], s1  }
0x93: {  	s0 =	simm.s32 @!p0 $0x3  }
0x94: {  	_ =	swait.ge @!p0 [sflag:s0], s1  }
0x95: {  	s1 =	ssub.s32 @!p0 $0x0, s1;
	[sflag:s0] =	ssyncset.done @!p0 $0x0  }
0x96: {  	[sflag:s0] =	ssyncadd.s32 @!p0 s1  }
0x97: {  	[bflag:$0x3] =	sbarrier.arrive $0xFFFF  }
0x98: {  	_ =	shalt  }

</sc_bundles>
